<compile_context>
chip_gen: v7x
topology: tpu7x:2x2x1
jax: 0.10.2.dev20260603
libtpu: 0.0.44.dev20260713+nightly
codegen_flags: <defaults>
</compile_context>

<pallas_src>
import jax

jax.config.update("jax_enable_x64", True)

import jax.numpy as jnp
from jax import lax
from jax.experimental import pallas as pl
from jax.experimental.pallas import tpu as pltpu
from jax.experimental.pallas import tpu_sc as plsc

N = 16384
PATHS = 16
NUM_WORKERS = 32
TOK_PER_W = N // NUM_WORKERS


def _top2_body(scoreT_hbm, out_hbm, in_v, out_v):
    c = lax.axis_index("c")
    s = lax.axis_index("s")
    wid = s * 2 + c
    base = wid * TOK_PER_W
    pltpu.sync_copy(scoreT_hbm.at[:, pl.ds(base, TOK_PER_W)], in_v)

    one = jnp.full((16,), 1, jnp.int32)
    zero = jnp.full((16,), 0, jnp.int32)
    two = jnp.full((16,), 2, jnp.int32)
    neginf = jnp.full((16,), -jnp.inf, jnp.float32)

    def one_block(col0):
        cols = [in_v[p, pl.ds(col0, 16)] for p in range(PATHS)]
        m1 = cols[0]
        m2 = neginf
        for p in range(1, PATHS):
            t = jnp.minimum(m1, cols[p])
            m2 = jnp.maximum(m2, t)
            m1 = jnp.maximum(m1, cols[p])
        need = jnp.where(m1 > m2, one, two)
        cnt = zero
        for p in range(PATHS):
            eqi = jnp.where(cols[p] == m2, one, zero)
            gti = jnp.where(cols[p] > m2, one, zero)
            oki = jnp.where(cnt < need, one, zero)
            out_v[p, pl.ds(col0, 16)] = gti | (eqi & oki)
            cnt = cnt + eqi

    def blk(b, carry):
        one_block(b * 32)
        one_block(b * 32 + 16)
        return carry

    lax.fori_loop(jnp.int32(0), jnp.int32(TOK_PER_W // 32), blk, 0)
    pltpu.sync_copy(out_v, out_hbm.at[:, pl.ds(base, TOK_PER_W)])


def kernel(score):
    mesh = plsc.VectorSubcoreMesh(core_axis_name="c", subcore_axis_name="s")
    k = pl.kernel(
        _top2_body,
        mesh=mesh,
        out_type=jax.ShapeDtypeStruct((PATHS, N), jnp.int32),
        scratch_types=[
            pltpu.VMEM((PATHS, TOK_PER_W), jnp.float32),
            pltpu.VMEM((PATHS, TOK_PER_W), jnp.int32),
        ],
    )
    return k(score.T).T.astype(jnp.int64)

# --- scband reference (transcript-rebuilt; emitter-appended) ---
"""Pipeline reference for scband-top-kprotocol-48644799595102 (READ-ONLY COPY).

The authoritative reference and input builder live on the scoring server;
editing this copy changes nothing except your own understanding.
"""

import jax
jax.config.update("jax_enable_x64", True)
import jax.numpy as jnp
import numpy as np

PATH_NUM = 16
K = 2


def setup_inputs(seed: int = 0) -> dict:
    key = jax.random.key(seed)
    score = jax.random.normal(key, (16384, PATH_NUM), dtype=jnp.float32)
    return {"score": score}


def reference(score):
    # torch.topk(score, k, dim=1).indices
    _, idx = jax.lax.top_k(score, K)  # [N, K] int
    n = score.shape[0]
    rows = jnp.arange(n)[:, None]  # [N, 1]
    # torch.zeros(N, path_num, dtype=int64).scatter_(1, idx, 1)
    hot_mask = jnp.zeros((n, PATH_NUM), dtype=jnp.int64).at[rows, idx].set(1)
    return hot_mask

if __name__ == "__main__":
    import jax
    _d = setup_inputs()
    print(jax.jit(kernel)(*tuple(_d.values())))

</pallas_src>

<mosaic_0001>
#map = affine_map<(d0, d1) -> (0, 0)>
module attributes {stable_mosaic.version = 14 : i64} {
  func.func @_top2_body(%arg0: i32, %arg1: i32, %arg2: memref<16x16384xf32, #tpu.memory_space<hbm>>, %arg3: memref<16x16384xi32, #tpu.memory_space<hbm>>, %arg4: memref<16x512xf32, #tpu.memory_space<vmem>>, %arg5: memref<16x512xi32, #tpu.memory_space<vmem>>) attributes {dimension_semantics = [#tpu.dimension_semantics<core_parallel>, #tpu.dimension_semantics<subcore_parallel>], iteration_bounds = array<i64: 2, 16>, scalar_prefetch = 0 : i64, scratch_operands = 2 : i64, tpu.core_type = #tpu.core_type<sc_vector_subcore>, window_params = [{transform_indices = #map}, {transform_indices = #map}]} {
    %mul3A = arith.constant 2 : i32
    %mul3A_0 = arith.muli %arg1, %mul3A : i32
    %add3A = arith.addi %mul3A_0, %arg0 : i32
    %mul3A_1 = arith.constant 512 : i32
    %mul3A_2 = arith.muli %add3A, %mul3A_1 : i32
    "tpu.region"() ({
      %run_scoped3A = tpu.sem_alloc : memref<!tpu.dma_semaphore, #tpu.memory_space<semaphore_mem>>
      %dma_start3A = arith.constant 0 : i32
      %dma_start3A_20 = tpu.memref_slice %arg2[%dma_start3A, %mul3A_2] : memref<16x16384xf32, #tpu.memory_space<hbm>> -> memref<16x512xf32, #tpu.memory_space<hbm>>
      %dma_start3A_21 = arith.constant 0 : i32
      %dma_start3A_22 = tpu.memref_slice %arg2[%dma_start3A_21, %mul3A_2] : memref<16x16384xf32, #tpu.memory_space<hbm>> -> memref<16x512xf32, #tpu.memory_space<hbm>>
      tpu.enqueue_dma source(%dma_start3A_22 : memref<16x512xf32, #tpu.memory_space<hbm>>) target(%arg4 : memref<16x512xf32, #tpu.memory_space<vmem>>) target_semaphore(%run_scoped3A : memref<!tpu.dma_semaphore, #tpu.memory_space<semaphore_mem>>)
      %dma_wait3A = arith.constant 0 : i32
      %dma_wait3A_23 = tpu.memref_slice %arg2[%dma_wait3A, %mul3A_2] : memref<16x16384xf32, #tpu.memory_space<hbm>> -> memref<16x512xf32, #tpu.memory_space<hbm>>
      %dma_wait3A_24 = arith.constant 0 : i32
      %dma_wait3A_25 = tpu.memref_slice %arg2[%dma_wait3A_24, %mul3A_2] : memref<16x16384xf32, #tpu.memory_space<hbm>> -> memref<16x512xf32, #tpu.memory_space<hbm>>
      tpu.wait_dma2 semaphore(%run_scoped3A : memref<!tpu.dma_semaphore, #tpu.memory_space<semaphore_mem>>) src(%dma_wait3A_25 : memref<16x512xf32, #tpu.memory_space<hbm>>) dst(%arg4 : memref<16x512xf32, #tpu.memory_space<vmem>>)
      tpu.yield
    }) : () -> ()
    %broadcast_in_dim3A = arith.constant 1 : i32
    %broadcast_in_dim3A_3 = vector.broadcast %broadcast_in_dim3A : i32 to vector<16xi32>
    %broadcast_in_dim3A_4 = arith.constant 0 : i32
    %broadcast_in_dim3A_5 = vector.broadcast %broadcast_in_dim3A_4 : i32 to vector<16xi32>
    %broadcast_in_dim3A_6 = arith.constant 2 : i32
    %broadcast_in_dim3A_7 = vector.broadcast %broadcast_in_dim3A_6 : i32 to vector<16xi32>
    %broadcast_in_dim3A_8 = arith.constant 0xFF800000 : f32
    %broadcast_in_dim3A_9 = vector.broadcast %broadcast_in_dim3A_8 : f32 to vector<16xf32>
    %while3A = arith.constant 0 : i64
    %while3A_10 = arith.constant 0 : i32
    %while3A_11 = arith.constant 16 : i32
    %while3A_12 = arith.subi %while3A_11, %while3A_10 : i32
    %while3A_13 = arith.addi %while3A_10, %while3A_12 : i32
    %while3A_14 = arith.constant 1 : i32
    %while3A_15 = arith.divsi %while3A_12, %while3A_14 : i32
    %while3A_16 = arith.muli %while3A_15, %while3A_14 : i32
    %while3A_17 = arith.addi %while3A_10, %while3A_16 : i32
    %while3A_18 = arith.constant 1 : i32
    scf.for %while3A_20 = %while3A_10 to %while3A_17 step %while3A_18  : i32 {
      %mul3A_21 = arith.constant 32 : i32
      %mul3A_22 = arith.muli %while3A_20, %mul3A_21 : i32
      %get3A = arith.constant 0 : i64
      %get3A_23 = arith.index_cast %get3A : i64 to index
      %get3A_24 = arith.index_cast %mul3A_22 : i32 to index
      %get3A_25 = tpu.vector_load %arg4[%get3A_23, %get3A_24] {strides = array<i32>} : memref<16x512xf32, #tpu.memory_space<vmem>>, vector<1x16xf32>,
      %get3A_26 = vector.shape_cast %get3A_25 : vector<1x16xf32> to vector<16xf32>
      %get3A_27 = arith.constant 1 : i64
      %get3A_28 = arith.index_cast %get3A_27 : i64 to index
      %get3A_29 = arith.index_cast %mul3A_22 : i32 to index
      %get3A_30 = tpu.vector_load %arg4[%get3A_28, %get3A_29] {strides = array<i32>} : memref<16x512xf32, #tpu.memory_space<vmem>>, vector<1x16xf32>,
      %get3A_31 = vector.shape_cast %get3A_30 : vector<1x16xf32> to vector<16xf32>
      %get3A_32 = arith.constant 2 : i64
      %get3A_33 = arith.index_cast %get3A_32 : i64 to index
      %get3A_34 = arith.index_cast %mul3A_22 : i32 to index
      %get3A_35 = tpu.vector_load %arg4[%get3A_33, %get3A_34] {strides = array<i32>} : memref<16x512xf32, #tpu.memory_space<vmem>>, vector<1x16xf32>,
      %get3A_36 = vector.shape_cast %get3A_35 : vector<1x16xf32> to vector<16xf32>
      %get3A_37 = arith.constant 3 : i64
      %get3A_38 = arith.index_cast %get3A_37 : i64 to index
      %get3A_39 = arith.index_cast %mul3A_22 : i32 to index
      %get3A_40 = tpu.vector_load %arg4[%get3A_38, %get3A_39] {strides = array<i32>} : memref<16x512xf32, #tpu.memory_space<vmem>>, vector<1x16xf32>,
      %get3A_41 = vector.shape_cast %get3A_40 : vector<1x16xf32> to vector<16xf32>
      %get3A_42 = arith.constant 4 : i64
      %get3A_43 = arith.index_cast %get3A_42 : i64 to index
      %get3A_44 = arith.index_cast %mul3A_22 : i32 to index
      %get3A_45 = tpu.vector_load %arg4[%get3A_43, %get3A_44] {strides = array<i32>} : memref<16x512xf32, #tpu.memory_space<vmem>>, vector<1x16xf32>,
      %get3A_46 = vector.shape_cast %get3A_45 : vector<1x16xf32> to vector<16xf32>
      %get3A_47 = arith.constant 5 : i64
      %get3A_48 = arith.index_cast %get3A_47 : i64 to index
      %get3A_49 = arith.index_cast %mul3A_22 : i32 to index
      %get3A_50 = tpu.vector_load %arg4[%get3A_48, %get3A_49] {strides = array<i32>} : memref<16x512xf32, #tpu.memory_space<vmem>>, vector<1x16xf32>,
      %get3A_51 = vector.shape_cast %get3A_50 : vector<1x16xf32> to vector<16xf32>
      %get3A_52 = arith.constant 6 : i64
      %get3A_53 = arith.index_cast %get3A_52 : i64 to index
      %get3A_54 = arith.index_cast %mul3A_22 : i32 to index
      %get3A_55 = tpu.vector_load %arg4[%get3A_53, %get3A_54] {strides = array<i32>} : memref<16x512xf32, #tpu.memory_space<vmem>>, vector<1x16xf32>,
      %get3A_56 = vector.shape_cast %get3A_55 : vector<1x16xf32> to vector<16xf32>
      %get3A_57 = arith.constant 7 : i64
      %get3A_58 = arith.index_cast %get3A_57 : i64 to index
      %get3A_59 = arith.index_cast %mul3A_22 : i32 to index
      %get3A_60 = tpu.vector_load %arg4[%get3A_58, %get3A_59] {strides = array<i32>} : memref<16x512xf32, #tpu.memory_space<vmem>>, vector<1x16xf32>,
      %get3A_61 = vector.shape_cast %get3A_60 : vector<1x16xf32> to vector<16xf32>
      %get3A_62 = arith.constant 8 : i64
      %get3A_63 = arith.index_cast %get3A_62 : i64 to index
      %get3A_64 = arith.index_cast %mul3A_22 : i32 to index
      %get3A_65 = tpu.vector_load %arg4[%get3A_63, %get3A_64] {strides = array<i32>} : memref<16x512xf32, #tpu.memory_space<vmem>>, vector<1x16xf32>,
      %get3A_66 = vector.shape_cast %get3A_65 : vector<1x16xf32> to vector<16xf32>
      %get3A_67 = arith.constant 9 : i64
      %get3A_68 = arith.index_cast %get3A_67 : i64 to index
      %get3A_69 = arith.index_cast %mul3A_22 : i32 to index
      %get3A_70 = tpu.vector_load %arg4[%get3A_68, %get3A_69] {strides = array<i32>} : memref<16x512xf32, #tpu.memory_space<vmem>>, vector<1x16xf32>,
      %get3A_71 = vector.shape_cast %get3A_70 : vector<1x16xf32> to vector<16xf32>
      %get3A_72 = arith.constant 10 : i64
      %get3A_73 = arith.index_cast %get3A_72 : i64 to index
      %get3A_74 = arith.index_cast %mul3A_22 : i32 to index
      %get3A_75 = tpu.vector_load %arg4[%get3A_73, %get3A_74] {strides = array<i32>} : memref<16x512xf32, #tpu.memory_space<vmem>>, vector<1x16xf32>,
      %get3A_76 = vector.shape_cast %get3A_75 : vector<1x16xf32> to vector<16xf32>
      %get3A_77 = arith.constant 11 : i64
      %get3A_78 = arith.index_cast %get3A_77 : i64 to index
      %get3A_79 = arith.index_cast %mul3A_22 : i32 to index
      %get3A_80 = tpu.vector_load %arg4[%get3A_78, %get3A_79] {strides = array<i32>} : memref<16x512xf32, #tpu.memory_space<vmem>>, vector<1x16xf32>,
      %get3A_81 = vector.shape_cast %get3A_80 : vector<1x16xf32> to vector<16xf32>
      %get3A_82 = arith.constant 12 : i64
      %get3A_83 = arith.index_cast %get3A_82 : i64 to index
      %get3A_84 = arith.index_cast %mul3A_22 : i32 to index
      %get3A_85 = tpu.vector_load %arg4[%get3A_83, %get3A_84] {strides = array<i32>} : memref<16x512xf32, #tpu.memory_space<vmem>>, vector<1x16xf32>,
      %get3A_86 = vector.shape_cast %get3A_85 : vector<1x16xf32> to vector<16xf32>
      %get3A_87 = arith.constant 13 : i64
      %get3A_88 = arith.index_cast %get3A_87 : i64 to index
      %get3A_89 = arith.index_cast %mul3A_22 : i32 to index
      %get3A_90 = tpu.vector_load %arg4[%get3A_88, %get3A_89] {strides = array<i32>} : memref<16x512xf32, #tpu.memory_space<vmem>>, vector<1x16xf32>,
      %get3A_91 = vector.shape_cast %get3A_90 : vector<1x16xf32> to vector<16xf32>
      %get3A_92 = arith.constant 14 : i64
      %get3A_93 = arith.index_cast %get3A_92 : i64 to index
      %get3A_94 = arith.index_cast %mul3A_22 : i32 to index
      %get3A_95 = tpu.vector_load %arg4[%get3A_93, %get3A_94] {strides = array<i32>} : memref<16x512xf32, #tpu.memory_space<vmem>>, vector<1x16xf32>,
      %get3A_96 = vector.shape_cast %get3A_95 : vector<1x16xf32> to vector<16xf32>
      %get3A_97 = arith.constant 15 : i64
      %get3A_98 = arith.index_cast %get3A_97 : i64 to index
      %get3A_99 = arith.index_cast %mul3A_22 : i32 to index
      %get3A_100 = tpu.vector_load %arg4[%get3A_98, %get3A_99] {strides = array<i32>} : memref<16x512xf32, #tpu.memory_space<vmem>>, vector<1x16xf32>,
      %get3A_101 = vector.shape_cast %get3A_100 : vector<1x16xf32> to vector<16xf32>
      %min3A = arith.minimumf %get3A_26, %get3A_31 : vector<16xf32>
      %max3A = arith.maximumf %broadcast_in_dim3A_9, %min3A : vector<16xf32>
      %max3A_102 = arith.maximumf %get3A_26, %get3A_31 : vector<16xf32>
      %min3A_103 = arith.minimumf %max3A_102, %get3A_36 : vector<16xf32>
      %max3A_104 = arith.maximumf %max3A, %min3A_103 : vector<16xf32>
      %max3A_105 = arith.maximumf %max3A_102, %get3A_36 : vector<16xf32>
      %min3A_106 = arith.minimumf %max3A_105, %get3A_41 : vector<16xf32>
      %max3A_107 = arith.maximumf %max3A_104, %min3A_106 : vector<16xf32>
      %max3A_108 = arith.maximumf %max3A_105, %get3A_41 : vector<16xf32>
      %min3A_109 = arith.minimumf %max3A_108, %get3A_46 : vector<16xf32>
      %max3A_110 = arith.maximumf %max3A_107, %min3A_109 : vector<16xf32>
      %max3A_111 = arith.maximumf %max3A_108, %get3A_46 : vector<16xf32>
      %min3A_112 = arith.minimumf %max3A_111, %get3A_51 : vector<16xf32>
      %max3A_113 = arith.maximumf %max3A_110, %min3A_112 : vector<16xf32>
      %max3A_114 = arith.maximumf %max3A_111, %get3A_51 : vector<16xf32>
      %min3A_115 = arith.minimumf %max3A_114, %get3A_56 : vector<16xf32>
      %max3A_116 = arith.maximumf %max3A_113, %min3A_115 : vector<16xf32>
      %max3A_117 = arith.maximumf %max3A_114, %get3A_56 : vector<16xf32>
      %min3A_118 = arith.minimumf %max3A_117, %get3A_61 : vector<16xf32>
      %max3A_119 = arith.maximumf %max3A_116, %min3A_118 : vector<16xf32>
      %max3A_120 = arith.maximumf %max3A_117, %get3A_61 : vector<16xf32>
      %min3A_121 = arith.minimumf %max3A_120, %get3A_66 : vector<16xf32>
      %max3A_122 = arith.maximumf %max3A_119, %min3A_121 : vector<16xf32>
      %max3A_123 = arith.maximumf %max3A_120, %get3A_66 : vector<16xf32>
      %min3A_124 = arith.minimumf %max3A_123, %get3A_71 : vector<16xf32>
      %max3A_125 = arith.maximumf %max3A_122, %min3A_124 : vector<16xf32>
      %max3A_126 = arith.maximumf %max3A_123, %get3A_71 : vector<16xf32>
      %min3A_127 = arith.minimumf %max3A_126, %get3A_76 : vector<16xf32>
      %max3A_128 = arith.maximumf %max3A_125, %min3A_127 : vector<16xf32>
      %max3A_129 = arith.maximumf %max3A_126, %get3A_76 : vector<16xf32>
      %min3A_130 = arith.minimumf %max3A_129, %get3A_81 : vector<16xf32>
      %max3A_131 = arith.maximumf %max3A_128, %min3A_130 : vector<16xf32>
      %max3A_132 = arith.maximumf %max3A_129, %get3A_81 : vector<16xf32>
      %min3A_133 = arith.minimumf %max3A_132, %get3A_86 : vector<16xf32>
      %max3A_134 = arith.maximumf %max3A_131, %min3A_133 : vector<16xf32>
      %max3A_135 = arith.maximumf %max3A_132, %get3A_86 : vector<16xf32>
      %min3A_136 = arith.minimumf %max3A_135, %get3A_91 : vector<16xf32>
      %max3A_137 = arith.maximumf %max3A_134, %min3A_136 : vector<16xf32>
      %max3A_138 = arith.maximumf %max3A_135, %get3A_91 : vector<16xf32>
      %min3A_139 = arith.minimumf %max3A_138, %get3A_96 : vector<16xf32>
      %max3A_140 = arith.maximumf %max3A_137, %min3A_139 : vector<16xf32>
      %max3A_141 = arith.maximumf %max3A_138, %get3A_96 : vector<16xf32>
      %min3A_142 = arith.minimumf %max3A_141, %get3A_101 : vector<16xf32>
      %max3A_143 = arith.maximumf %max3A_140, %min3A_142 : vector<16xf32>
      %max3A_144 = arith.maximumf %max3A_141, %get3A_101 : vector<16xf32>
      %gt3A = arith.cmpf ogt, %max3A_144, %max3A_143 : vector<16xf32>
      %select_n3A = arith.select %gt3A, %broadcast_in_dim3A_3, %broadcast_in_dim3A_7 : vector<16xi1>, vector<16xi32>
      %eq3A = arith.cmpf oeq, %get3A_26, %max3A_143 : vector<16xf32>
      %select_n3A_145 = arith.select %eq3A, %broadcast_in_dim3A_3, %broadcast_in_dim3A_5 : vector<16xi1>, vector<16xi32>
      %gt3A_146 = arith.cmpf ogt, %get3A_26, %max3A_143 : vector<16xf32>
      %select_n3A_147 = arith.select %gt3A_146, %broadcast_in_dim3A_3, %broadcast_in_dim3A_5 : vector<16xi1>, vector<16xi32>
      %lt3A = arith.cmpi slt, %broadcast_in_dim3A_5, %select_n3A : vector<16xi32>
      %select_n3A_148 = arith.select %lt3A, %broadcast_in_dim3A_3, %broadcast_in_dim3A_5 : vector<16xi1>, vector<16xi32>
      %and3A = arith.andi %select_n3A_145, %select_n3A_148 : vector<16xi32>
      %or3A = arith.ori %select_n3A_147, %and3A : vector<16xi32>
      %swap3A = arith.constant 0 : i64
      %swap3A_149 = arith.index_cast %swap3A : i64 to index
      %swap3A_150 = arith.index_cast %mul3A_22 : i32 to index
      %swap3A_151 = tpu.vector_load %arg5[%swap3A_149, %swap3A_150] {strides = array<i32>} : memref<16x512xi32, #tpu.memory_space<vmem>>, vector<1x16xi32>,
      %swap3A_152 = vector.shape_cast %swap3A_151 : vector<1x16xi32> to vector<16xi32>
      %swap3A_153 = vector.shape_cast %or3A : vector<16xi32> to vector<1x16xi32>
      tpu.vector_store %arg5[%swap3A_149, %swap3A_150], %swap3A_153 {strides = array<i32>} : memref<16x512xi32, #tpu.memory_space<vmem>>, vector<1x16xi32>,
      %add3A_154 = arith.addi %broadcast_in_dim3A_5, %select_n3A_145 : vector<16xi32>
      %eq3A_155 = arith.cmpf oeq, %get3A_31, %max3A_143 : vector<16xf32>
      %select_n3A_156 = arith.select %eq3A_155, %broadcast_in_dim3A_3, %broadcast_in_dim3A_5 : vector<16xi1>, vector<16xi32>
      %gt3A_157 = arith.cmpf ogt, %get3A_31, %max3A_143 : vector<16xf32>
      %select_n3A_158 = arith.select %gt3A_157, %broadcast_in_dim3A_3, %broadcast_in_dim3A_5 : vector<16xi1>, vector<16xi32>
      %lt3A_159 = arith.cmpi slt, %add3A_154, %select_n3A : vector<16xi32>
      %select_n3A_160 = arith.select %lt3A_159, %broadcast_in_dim3A_3, %broadcast_in_dim3A_5 : vector<16xi1>, vector<16xi32>
      %and3A_161 = arith.andi %select_n3A_156, %select_n3A_160 : vector<16xi32>
      %or3A_162 = arith.ori %select_n3A_158, %and3A_161 : vector<16xi32>
      %swap3A_163 = arith.constant 1 : i64
      %swap3A_164 = arith.index_cast %swap3A_163 : i64 to index
      %swap3A_165 = arith.index_cast %mul3A_22 : i32 to index
      %swap3A_166 = tpu.vector_load %arg5[%swap3A_164, %swap3A_165] {strides = array<i32>} : memref<16x512xi32, #tpu.memory_space<vmem>>, vector<1x16xi32>,
      %swap3A_167 = vector.shape_cast %swap3A_166 : vector<1x16xi32> to vector<16xi32>
      %swap3A_168 = vector.shape_cast %or3A_162 : vector<16xi32> to vector<1x16xi32>
      tpu.vector_store %arg5[%swap3A_164, %swap3A_165], %swap3A_168 {strides = array<i32>} : memref<16x512xi32, #tpu.memory_space<vmem>>, vector<1x16xi32>,
      %add3A_169 = arith.addi %add3A_154, %select_n3A_156 : vector<16xi32>
      %eq3A_170 = arith.cmpf oeq, %get3A_36, %max3A_143 : vector<16xf32>
      %select_n3A_171 = arith.select %eq3A_170, %broadcast_in_dim3A_3, %broadcast_in_dim3A_5 : vector<16xi1>, vector<16xi32>
      %gt3A_172 = arith.cmpf ogt, %get3A_36, %max3A_143 : vector<16xf32>
      %select_n3A_173 = arith.select %gt3A_172, %broadcast_in_dim3A_3, %broadcast_in_dim3A_5 : vector<16xi1>, vector<16xi32>
      %lt3A_174 = arith.cmpi slt, %add3A_169, %select_n3A : vector<16xi32>
      %select_n3A_175 = arith.select %lt3A_174, %broadcast_in_dim3A_3, %broadcast_in_dim3A_5 : vector<16xi1>, vector<16xi32>
      %and3A_176 = arith.andi %select_n3A_171, %select_n3A_175 : vector<16xi32>
      %or3A_177 = arith.ori %select_n3A_173, %and3A_176 : vector<16xi32>
      %swap3A_178 = arith.constant 2 : i64
      %swap3A_179 = arith.index_cast %swap3A_178 : i64 to index
      %swap3A_180 = arith.index_cast %mul3A_22 : i32 to index
      %swap3A_181 = tpu.vector_load %arg5[%swap3A_179, %swap3A_180] {strides = array<i32>} : memref<16x512xi32, #tpu.memory_space<vmem>>, vector<1x16xi32>,
      %swap3A_182 = vector.shape_cast %swap3A_181 : vector<1x16xi32> to vector<16xi32>
      %swap3A_183 = vector.shape_cast %or3A_177 : vector<16xi32> to vector<1x16xi32>
      tpu.vector_store %arg5[%swap3A_179, %swap3A_180], %swap3A_183 {strides = array<i32>} : memref<16x512xi32, #tpu.memory_space<vmem>>, vector<1x16xi32>,
      %add3A_184 = arith.addi %add3A_169, %select_n3A_171 : vector<16xi32>
      %eq3A_185 = arith.cmpf oeq, %get3A_41, %max3A_143 : vector<16xf32>
      %select_n3A_186 = arith.select %eq3A_185, %broadcast_in_dim3A_3, %broadcast_in_dim3A_5 : vector<16xi1>, vector<16xi32>
      %gt3A_187 = arith.cmpf ogt, %get3A_41, %max3A_143 : vector<16xf32>
      %select_n3A_188 = arith.select %gt3A_187, %broadcast_in_dim3A_3, %broadcast_in_dim3A_5 : vector<16xi1>, vector<16xi32>
      %lt3A_189 = arith.cmpi slt, %add3A_184, %select_n3A : vector<16xi32>
      %select_n3A_190 = arith.select %lt3A_189, %broadcast_in_dim3A_3, %broadcast_in_dim3A_5 : vector<16xi1>, vector<16xi32>
      %and3A_191 = arith.andi %select_n3A_186, %select_n3A_190 : vector<16xi32>
      %or3A_192 = arith.ori %select_n3A_188, %and3A_191 : vector<16xi32>
      %swap3A_193 = arith.constant 3 : i64
      %swap3A_194 = arith.index_cast %swap3A_193 : i64 to index
      %swap3A_195 = arith.index_cast %mul3A_22 : i32 to index
      %swap3A_196 = tpu.vector_load %arg5[%swap3A_194, %swap3A_195] {strides = array<i32>} : memref<16x512xi32, #tpu.memory_space<vmem>>, vector<1x16xi32>,
      %swap3A_197 = vector.shape_cast %swap3A_196 : vector<1x16xi32> to vector<16xi32>
      %swap3A_198 = vector.shape_cast %or3A_192 : vector<16xi32> to vector<1x16xi32>
      tpu.vector_store %arg5[%swap3A_194, %swap3A_195], %swap3A_198 {strides = array<i32>} : memref<16x512xi32, #tpu.memory_space<vmem>>, vector<1x16xi32>,
      %add3A_199 = arith.addi %add3A_184, %select_n3A_186 : vector<16xi32>
      %eq3A_200 = arith.cmpf oeq, %get3A_46, %max3A_143 : vector<16xf32>
      %select_n3A_201 = arith.select %eq3A_200, %broadcast_in_dim3A_3, %broadcast_in_dim3A_5 : vector<16xi1>, vector<16xi32>
      %gt3A_202 = arith.cmpf ogt, %get3A_46, %max3A_143 : vector<16xf32>
      %select_n3A_203 = arith.select %gt3A_202, %broadcast_in_dim3A_3, %broadcast_in_dim3A_5 : vector<16xi1>, vector<16xi32>
      %lt3A_204 = arith.cmpi slt, %add3A_199, %select_n3A : vector<16xi32>
      %select_n3A_205 = arith.select %lt3A_204, %broadcast_in_dim3A_3, %broadcast_in_dim3A_5 : vector<16xi1>, vector<16xi32>
      %and3A_206 = arith.andi %select_n3A_201, %select_n3A_205 : vector<16xi32>
      %or3A_207 = arith.ori %select_n3A_203, %and3A_206 : vector<16xi32>
      %swap3A_208 = arith.constant 4 : i64
      %swap3A_209 = arith.index_cast %swap3A_208 : i64 to index
      %swap3A_210 = arith.index_cast %mul3A_22 : i32 to index
      %swap3A_211 = tpu.vector_load %arg5[%swap3A_209, %swap3A_210] {strides = array<i32>} : memref<16x512xi32, #tpu.memory_space<vmem>>, vector<1x16xi32>,
      %swap3A_212 = vector.shape_cast %swap3A_211 : vector<1x16xi32> to vector<16xi32>
      %swap3A_213 = vector.shape_cast %or3A_207 : vector<16xi32> to vector<1x16xi32>
      tpu.vector_store %arg5[%swap3A_209, %swap3A_210], %swap3A_213 {strides = array<i32>} : memref<16x512xi32, #tpu.memory_space<vmem>>, vector<1x16xi32>,
      %add3A_214 = arith.addi %add3A_199, %select_n3A_201 : vector<16xi32>
      %eq3A_215 = arith.cmpf oeq, %get3A_51, %max3A_143 : vector<16xf32>
      %select_n3A_216 = arith.select %eq3A_215, %broadcast_in_dim3A_3, %broadcast_in_dim3A_5 : vector<16xi1>, vector<16xi32>
      %gt3A_217 = arith.cmpf ogt, %get3A_51, %max3A_143 : vector<16xf32>
      %select_n3A_218 = arith.select %gt3A_217, %broadcast_in_dim3A_3, %broadcast_in_dim3A_5 : vector<16xi1>, vector<16xi32>
      %lt3A_219 = arith.cmpi slt, %add3A_214, %select_n3A : vector<16xi32>
      %select_n3A_220 = arith.select %lt3A_219, %broadcast_in_dim3A_3, %broadcast_in_dim3A_5 : vector<16xi1>, vector<16xi32>
      %and3A_221 = arith.andi %select_n3A_216, %select_n3A_220 : vector<16xi32>
      %or3A_222 = arith.ori %select_n3A_218, %and3A_221 : vector<16xi32>
      %swap3A_223 = arith.constant 5 : i64
      %swap3A_224 = arith.index_cast %swap3A_223 : i64 to index
      %swap3A_225 = arith.index_cast %mul3A_22 : i32 to index
      %swap3A_226 = tpu.vector_load %arg5[%swap3A_224, %swap3A_225] {strides = array<i32>} : memref<16x512xi32, #tpu.memory_space<vmem>>, vector<1x16xi32>,
      %swap3A_227 = vector.shape_cast %swap3A_226 : vector<1x16xi32> to vector<16xi32>
      %swap3A_228 = vector.shape_cast %or3A_222 : vector<16xi32> to vector<1x16xi32>
      tpu.vector_store %arg5[%swap3A_224, %swap3A_225], %swap3A_228 {strides = array<i32>} : memref<16x512xi32, #tpu.memory_space<vmem>>, vector<1x16xi32>,
      %add3A_229 = arith.addi %add3A_214, %select_n3A_216 : vector<16xi32>
      %eq3A_230 = arith.cmpf oeq, %get3A_56, %max3A_143 : vector<16xf32>
      %select_n3A_231 = arith.select %eq3A_230, %broadcast_in_dim3A_3, %broadcast_in_dim3A_5 : vector<16xi1>, vector<16xi32>
      %gt3A_232 = arith.cmpf ogt, %get3A_56, %max3A_143 : vector<16xf32>
      %select_n3A_233 = arith.select %gt3A_232, %broadcast_in_dim3A_3, %broadcast_in_dim3A_5 : vector<16xi1>, vector<16xi32>
      %lt3A_234 = arith.cmpi slt, %add3A_229, %select_n3A : vector<16xi32>
      %select_n3A_235 = arith.select %lt3A_234, %broadcast_in_dim3A_3, %broadcast_in_dim3A_5 : vector<16xi1>, vector<16xi32>
      %and3A_236 = arith.andi %select_n3A_231, %select_n3A_235 : vector<16xi32>
      %or3A_237 = arith.ori %select_n3A_233, %and3A_236 : vector<16xi32>
      %swap3A_238 = arith.constant 6 : i64
      %swap3A_239 = arith.index_cast %swap3A_238 : i64 to index
      %swap3A_240 = arith.index_cast %mul3A_22 : i32 to index
      %swap3A_241 = tpu.vector_load %arg5[%swap3A_239, %swap3A_240] {strides = array<i32>} : memref<16x512xi32, #tpu.memory_space<vmem>>, vector<1x16xi32>,
      %swap3A_242 = vector.shape_cast %swap3A_241 : vector<1x16xi32> to vector<16xi32>
      %swap3A_243 = vector.shape_cast %or3A_237 : vector<16xi32> to vector<1x16xi32>
      tpu.vector_store %arg5[%swap3A_239, %swap3A_240], %swap3A_243 {strides = array<i32>} : memref<16x512xi32, #tpu.memory_space<vmem>>, vector<1x16xi32>,
      %add3A_244 = arith.addi %add3A_229, %select_n3A_231 : vector<16xi32>
      %eq3A_245 = arith.cmpf oeq, %get3A_61, %max3A_143 : vector<16xf32>
      %select_n3A_246 = arith.select %eq3A_245, %broadcast_in_dim3A_3, %broadcast_in_dim3A_5 : vector<16xi1>, vector<16xi32>
      %gt3A_247 = arith.cmpf ogt, %get3A_61, %max3A_143 : vector<16xf32>
      %select_n3A_248 = arith.select %gt3A_247, %broadcast_in_dim3A_3, %broadcast_in_dim3A_5 : vector<16xi1>, vector<16xi32>
      %lt3A_249 = arith.cmpi slt, %add3A_244, %select_n3A : vector<16xi32>
      %select_n3A_250 = arith.select %lt3A_249, %broadcast_in_dim3A_3, %broadcast_in_dim3A_5 : vector<16xi1>, vector<16xi32>
      %and3A_251 = arith.andi %select_n3A_246, %select_n3A_250 : vector<16xi32>
      %or3A_252 = arith.ori %select_n3A_248, %and3A_251 : vector<16xi32>
      %swap3A_253 = arith.constant 7 : i64
      %swap3A_254 = arith.index_cast %swap3A_253 : i64 to index
      %swap3A_255 = arith.index_cast %mul3A_22 : i32 to index
      %swap3A_256 = tpu.vector_load %arg5[%swap3A_254, %swap3A_255] {strides = array<i32>} : memref<16x512xi32, #tpu.memory_space<vmem>>, vector<1x16xi32>,
      %swap3A_257 = vector.shape_cast %swap3A_256 : vector<1x16xi32> to vector<16xi32>
      %swap3A_258 = vector.shape_cast %or3A_252 : vector<16xi32> to vector<1x16xi32>
      tpu.vector_store %arg5[%swap3A_254, %swap3A_255], %swap3A_258 {strides = array<i32>} : memref<16x512xi32, #tpu.memory_space<vmem>>, vector<1x16xi32>,
      %add3A_259 = arith.addi %add3A_244, %select_n3A_246 : vector<16xi32>
      %eq3A_260 = arith.cmpf oeq, %get3A_66, %max3A_143 : vector<16xf32>
      %select_n3A_261 = arith.select %eq3A_260, %broadcast_in_dim3A_3, %broadcast_in_dim3A_5 : vector<16xi1>, vector<16xi32>
      %gt3A_262 = arith.cmpf ogt, %get3A_66, %max3A_143 : vector<16xf32>
      %select_n3A_263 = arith.select %gt3A_262, %broadcast_in_dim3A_3, %broadcast_in_dim3A_5 : vector<16xi1>, vector<16xi32>
      %lt3A_264 = arith.cmpi slt, %add3A_259, %select_n3A : vector<16xi32>
      %select_n3A_265 = arith.select %lt3A_264, %broadcast_in_dim3A_3, %broadcast_in_dim3A_5 : vector<16xi1>, vector<16xi32>
      %and3A_266 = arith.andi %select_n3A_261, %select_n3A_265 : vector<16xi32>
      %or3A_267 = arith.ori %select_n3A_263, %and3A_266 : vector<16xi32>
      %swap3A_268 = arith.constant 8 : i64
      %swap3A_269 = arith.index_cast %swap3A_268 : i64 to index
      %swap3A_270 = arith.index_cast %mul3A_22 : i32 to index
      %swap3A_271 = tpu.vector_load %arg5[%swap3A_269, %swap3A_270] {strides = array<i32>} : memref<16x512xi32, #tpu.memory_space<vmem>>, vector<1x16xi32>,
      %swap3A_272 = vector.shape_cast %swap3A_271 : vector<1x16xi32> to vector<16xi32>
      %swap3A_273 = vector.shape_cast %or3A_267 : vector<16xi32> to vector<1x16xi32>
      tpu.vector_store %arg5[%swap3A_269, %swap3A_270], %swap3A_273 {strides = array<i32>} : memref<16x512xi32, #tpu.memory_space<vmem>>, vector<1x16xi32>,
      %add3A_274 = arith.addi %add3A_259, %select_n3A_261 : vector<16xi32>
      %eq3A_275 = arith.cmpf oeq, %get3A_71, %max3A_143 : vector<16xf32>
      %select_n3A_276 = arith.select %eq3A_275, %broadcast_in_dim3A_3, %broadcast_in_dim3A_5 : vector<16xi1>, vector<16xi32>
      %gt3A_277 = arith.cmpf ogt, %get3A_71, %max3A_143 : vector<16xf32>
      %select_n3A_278 = arith.select %gt3A_277, %broadcast_in_dim3A_3, %broadcast_in_dim3A_5 : vector<16xi1>, vector<16xi32>
      %lt3A_279 = arith.cmpi slt, %add3A_274, %select_n3A : vector<16xi32>
      %select_n3A_280 = arith.select %lt3A_279, %broadcast_in_dim3A_3, %broadcast_in_dim3A_5 : vector<16xi1>, vector<16xi32>
      %and3A_281 = arith.andi %select_n3A_276, %select_n3A_280 : vector<16xi32>
      %or3A_282 = arith.ori %select_n3A_278, %and3A_281 : vector<16xi32>
      %swap3A_283 = arith.constant 9 : i64
      %swap3A_284 = arith.index_cast %swap3A_283 : i64 to index
      %swap3A_285 = arith.index_cast %mul3A_22 : i32 to index
      %swap3A_286 = tpu.vector_load %arg5[%swap3A_284, %swap3A_285] {strides = array<i32>} : memref<16x512xi32, #tpu.memory_space<vmem>>, vector<1x16xi32>,
      %swap3A_287 = vector.shape_cast %swap3A_286 : vector<1x16xi32> to vector<16xi32>
      %swap3A_288 = vector.shape_cast %or3A_282 : vector<16xi32> to vector<1x16xi32>
      tpu.vector_store %arg5[%swap3A_284, %swap3A_285], %swap3A_288 {strides = array<i32>} : memref<16x512xi32, #tpu.memory_space<vmem>>, vector<1x16xi32>,
      %add3A_289 = arith.addi %add3A_274, %select_n3A_276 : vector<16xi32>
      %eq3A_290 = arith.cmpf oeq, %get3A_76, %max3A_143 : vector<16xf32>
      %select_n3A_291 = arith.select %eq3A_290, %broadcast_in_dim3A_3, %broadcast_in_dim3A_5 : vector<16xi1>, vector<16xi32>
      %gt3A_292 = arith.cmpf ogt, %get3A_76, %max3A_143 : vector<16xf32>
      %select_n3A_293 = arith.select %gt3A_292, %broadcast_in_dim3A_3, %broadcast_in_dim3A_5 : vector<16xi1>, vector<16xi32>
      %lt3A_294 = arith.cmpi slt, %add3A_289, %select_n3A : vector<16xi32>
      %select_n3A_295 = arith.select %lt3A_294, %broadcast_in_dim3A_3, %broadcast_in_dim3A_5 : vector<16xi1>, vector<16xi32>
      %and3A_296 = arith.andi %select_n3A_291, %select_n3A_295 : vector<16xi32>
      %or3A_297 = arith.ori %select_n3A_293, %and3A_296 : vector<16xi32>
      %swap3A_298 = arith.constant 10 : i64
      %swap3A_299 = arith.index_cast %swap3A_298 : i64 to index
      %swap3A_300 = arith.index_cast %mul3A_22 : i32 to index
      %swap3A_301 = tpu.vector_load %arg5[%swap3A_299, %swap3A_300] {strides = array<i32>} : memref<16x512xi32, #tpu.memory_space<vmem>>, vector<1x16xi32>,
      %swap3A_302 = vector.shape_cast %swap3A_301 : vector<1x16xi32> to vector<16xi32>
      %swap3A_303 = vector.shape_cast %or3A_297 : vector<16xi32> to vector<1x16xi32>
      tpu.vector_store %arg5[%swap3A_299, %swap3A_300], %swap3A_303 {strides = array<i32>} : memref<16x512xi32, #tpu.memory_space<vmem>>, vector<1x16xi32>,
      %add3A_304 = arith.addi %add3A_289, %select_n3A_291 : vector<16xi32>
      %eq3A_305 = arith.cmpf oeq, %get3A_81, %max3A_143 : vector<16xf32>
      %select_n3A_306 = arith.select %eq3A_305, %broadcast_in_dim3A_3, %broadcast_in_dim3A_5 : vector<16xi1>, vector<16xi32>
      %gt3A_307 = arith.cmpf ogt, %get3A_81, %max3A_143 : vector<16xf32>
      %select_n3A_308 = arith.select %gt3A_307, %broadcast_in_dim3A_3, %broadcast_in_dim3A_5 : vector<16xi1>, vector<16xi32>
      %lt3A_309 = arith.cmpi slt, %add3A_304, %select_n3A : vector<16xi32>
      %select_n3A_310 = arith.select %lt3A_309, %broadcast_in_dim3A_3, %broadcast_in_dim3A_5 : vector<16xi1>, vector<16xi32>
      %and3A_311 = arith.andi %select_n3A_306, %select_n3A_310 : vector<16xi32>
      %or3A_312 = arith.ori %select_n3A_308, %and3A_311 : vector<16xi32>
      %swap3A_313 = arith.constant 11 : i64
      %swap3A_314 = arith.index_cast %swap3A_313 : i64 to index
      %swap3A_315 = arith.index_cast %mul3A_22 : i32 to index
      %swap3A_316 = tpu.vector_load %arg5[%swap3A_314, %swap3A_315] {strides = array<i32>} : memref<16x512xi32, #tpu.memory_space<vmem>>, vector<1x16xi32>,
      %swap3A_317 = vector.shape_cast %swap3A_316 : vector<1x16xi32> to vector<16xi32>
      %swap3A_318 = vector.shape_cast %or3A_312 : vector<16xi32> to vector<1x16xi32>
      tpu.vector_store %arg5[%swap3A_314, %swap3A_315], %swap3A_318 {strides = array<i32>} : memref<16x512xi32, #tpu.memory_space<vmem>>, vector<1x16xi32>,
      %add3A_319 = arith.addi %add3A_304, %select_n3A_306 : vector<16xi32>
      %eq3A_320 = arith.cmpf oeq, %get3A_86, %max3A_143 : vector<16xf32>
      %select_n3A_321 = arith.select %eq3A_320, %broadcast_in_dim3A_3, %broadcast_in_dim3A_5 : vector<16xi1>, vector<16xi32>
      %gt3A_322 = arith.cmpf ogt, %get3A_86, %max3A_143 : vector<16xf32>
      %select_n3A_323 = arith.select %gt3A_322, %broadcast_in_dim3A_3, %broadcast_in_dim3A_5 : vector<16xi1>, vector<16xi32>
      %lt3A_324 = arith.cmpi slt, %add3A_319, %select_n3A : vector<16xi32>
      %select_n3A_325 = arith.select %lt3A_324, %broadcast_in_dim3A_3, %broadcast_in_dim3A_5 : vector<16xi1>, vector<16xi32>
      %and3A_326 = arith.andi %select_n3A_321, %select_n3A_325 : vector<16xi32>
      %or3A_327 = arith.ori %select_n3A_323, %and3A_326 : vector<16xi32>
      %swap3A_328 = arith.constant 12 : i64
      %swap3A_329 = arith.index_cast %swap3A_328 : i64 to index
      %swap3A_330 = arith.index_cast %mul3A_22 : i32 to index
      %swap3A_331 = tpu.vector_load %arg5[%swap3A_329, %swap3A_330] {strides = array<i32>} : memref<16x512xi32, #tpu.memory_space<vmem>>, vector<1x16xi32>,
      %swap3A_332 = vector.shape_cast %swap3A_331 : vector<1x16xi32> to vector<16xi32>
      %swap3A_333 = vector.shape_cast %or3A_327 : vector<16xi32> to vector<1x16xi32>
      tpu.vector_store %arg5[%swap3A_329, %swap3A_330], %swap3A_333 {strides = array<i32>} : memref<16x512xi32, #tpu.memory_space<vmem>>, vector<1x16xi32>,
      %add3A_334 = arith.addi %add3A_319, %select_n3A_321 : vector<16xi32>
      %eq3A_335 = arith.cmpf oeq, %get3A_91, %max3A_143 : vector<16xf32>
      %select_n3A_336 = arith.select %eq3A_335, %broadcast_in_dim3A_3, %broadcast_in_dim3A_5 : vector<16xi1>, vector<16xi32>
      %gt3A_337 = arith.cmpf ogt, %get3A_91, %max3A_143 : vector<16xf32>
      %select_n3A_338 = arith.select %gt3A_337, %broadcast_in_dim3A_3, %broadcast_in_dim3A_5 : vector<16xi1>, vector<16xi32>
      %lt3A_339 = arith.cmpi slt, %add3A_334, %select_n3A : vector<16xi32>
      %select_n3A_340 = arith.select %lt3A_339, %broadcast_in_dim3A_3, %broadcast_in_dim3A_5 : vector<16xi1>, vector<16xi32>
      %and3A_341 = arith.andi %select_n3A_336, %select_n3A_340 : vector<16xi32>
      %or3A_342 = arith.ori %select_n3A_338, %and3A_341 : vector<16xi32>
      %swap3A_343 = arith.constant 13 : i64
      %swap3A_344 = arith.index_cast %swap3A_343 : i64 to index
      %swap3A_345 = arith.index_cast %mul3A_22 : i32 to index
      %swap3A_346 = tpu.vector_load %arg5[%swap3A_344, %swap3A_345] {strides = array<i32>} : memref<16x512xi32, #tpu.memory_space<vmem>>, vector<1x16xi32>,
      %swap3A_347 = vector.shape_cast %swap3A_346 : vector<1x16xi32> to vector<16xi32>
      %swap3A_348 = vector.shape_cast %or3A_342 : vector<16xi32> to vector<1x16xi32>
      tpu.vector_store %arg5[%swap3A_344, %swap3A_345], %swap3A_348 {strides = array<i32>} : memref<16x512xi32, #tpu.memory_space<vmem>>, vector<1x16xi32>,
      %add3A_349 = arith.addi %add3A_334, %select_n3A_336 : vector<16xi32>
      %eq3A_350 = arith.cmpf oeq, %get3A_96, %max3A_143 : vector<16xf32>
      %select_n3A_351 = arith.select %eq3A_350, %broadcast_in_dim3A_3, %broadcast_in_dim3A_5 : vector<16xi1>, vector<16xi32>
      %gt3A_352 = arith.cmpf ogt, %get3A_96, %max3A_143 : vector<16xf32>
      %select_n3A_353 = arith.select %gt3A_352, %broadcast_in_dim3A_3, %broadcast_in_dim3A_5 : vector<16xi1>, vector<16xi32>
      %lt3A_354 = arith.cmpi slt, %add3A_349, %select_n3A : vector<16xi32>
      %select_n3A_355 = arith.select %lt3A_354, %broadcast_in_dim3A_3, %broadcast_in_dim3A_5 : vector<16xi1>, vector<16xi32>
      %and3A_356 = arith.andi %select_n3A_351, %select_n3A_355 : vector<16xi32>
      %or3A_357 = arith.ori %select_n3A_353, %and3A_356 : vector<16xi32>
      %swap3A_358 = arith.constant 14 : i64
      %swap3A_359 = arith.index_cast %swap3A_358 : i64 to index
      %swap3A_360 = arith.index_cast %mul3A_22 : i32 to index
      %swap3A_361 = tpu.vector_load %arg5[%swap3A_359, %swap3A_360] {strides = array<i32>} : memref<16x512xi32, #tpu.memory_space<vmem>>, vector<1x16xi32>,
      %swap3A_362 = vector.shape_cast %swap3A_361 : vector<1x16xi32> to vector<16xi32>
      %swap3A_363 = vector.shape_cast %or3A_357 : vector<16xi32> to vector<1x16xi32>
      tpu.vector_store %arg5[%swap3A_359, %swap3A_360], %swap3A_363 {strides = array<i32>} : memref<16x512xi32, #tpu.memory_space<vmem>>, vector<1x16xi32>,
      %add3A_364 = arith.addi %add3A_349, %select_n3A_351 : vector<16xi32>
      %eq3A_365 = arith.cmpf oeq, %get3A_101, %max3A_143 : vector<16xf32>
      %select_n3A_366 = arith.select %eq3A_365, %broadcast_in_dim3A_3, %broadcast_in_dim3A_5 : vector<16xi1>, vector<16xi32>
      %gt3A_367 = arith.cmpf ogt, %get3A_101, %max3A_143 : vector<16xf32>
      %select_n3A_368 = arith.select %gt3A_367, %broadcast_in_dim3A_3, %broadcast_in_dim3A_5 : vector<16xi1>, vector<16xi32>
      %lt3A_369 = arith.cmpi slt, %add3A_364, %select_n3A : vector<16xi32>
      %select_n3A_370 = arith.select %lt3A_369, %broadcast_in_dim3A_3, %broadcast_in_dim3A_5 : vector<16xi1>, vector<16xi32>
      %and3A_371 = arith.andi %select_n3A_366, %select_n3A_370 : vector<16xi32>
      %or3A_372 = arith.ori %select_n3A_368, %and3A_371 : vector<16xi32>
      %swap3A_373 = arith.constant 15 : i64
      %swap3A_374 = arith.index_cast %swap3A_373 : i64 to index
      %swap3A_375 = arith.index_cast %mul3A_22 : i32 to index
      %swap3A_376 = tpu.vector_load %arg5[%swap3A_374, %swap3A_375] {strides = array<i32>} : memref<16x512xi32, #tpu.memory_space<vmem>>, vector<1x16xi32>,
      %swap3A_377 = vector.shape_cast %swap3A_376 : vector<1x16xi32> to vector<16xi32>
      %swap3A_378 = vector.shape_cast %or3A_372 : vector<16xi32> to vector<1x16xi32>
      tpu.vector_store %arg5[%swap3A_374, %swap3A_375], %swap3A_378 {strides = array<i32>} : memref<16x512xi32, #tpu.memory_space<vmem>>, vector<1x16xi32>,
      %add3A_379 = arith.addi %add3A_364, %select_n3A_366 : vector<16xi32>
      %mul3A_380 = arith.constant 32 : i32
      %mul3A_381 = arith.muli %while3A_20, %mul3A_380 : i32
      %add3A_382 = arith.constant 16 : i32
      %add3A_383 = arith.addi %mul3A_381, %add3A_382 : i32
      %get3A_384 = arith.constant 0 : i64
      %get3A_385 = arith.index_cast %get3A_384 : i64 to index
      %get3A_386 = arith.index_cast %add3A_383 : i32 to index
      %get3A_387 = tpu.vector_load %arg4[%get3A_385, %get3A_386] {strides = array<i32>} : memref<16x512xf32, #tpu.memory_space<vmem>>, vector<1x16xf32>,
      %get3A_388 = vector.shape_cast %get3A_387 : vector<1x16xf32> to vector<16xf32>
      %get3A_389 = arith.constant 1 : i64
      %get3A_390 = arith.index_cast %get3A_389 : i64 to index
      %get3A_391 = arith.index_cast %add3A_383 : i32 to index
      %get3A_392 = tpu.vector_load %arg4[%get3A_390, %get3A_391] {strides = array<i32>} : memref<16x512xf32, #tpu.memory_space<vmem>>, vector<1x16xf32>,
      %get3A_393 = vector.shape_cast %get3A_392 : vector<1x16xf32> to vector<16xf32>
      %get3A_394 = arith.constant 2 : i64
      %get3A_395 = arith.index_cast %get3A_394 : i64 to index
      %get3A_396 = arith.index_cast %add3A_383 : i32 to index
      %get3A_397 = tpu.vector_load %arg4[%get3A_395, %get3A_396] {strides = array<i32>} : memref<16x512xf32, #tpu.memory_space<vmem>>, vector<1x16xf32>,
      %get3A_398 = vector.shape_cast %get3A_397 : vector<1x16xf32> to vector<16xf32>
      %get3A_399 = arith.constant 3 : i64
      %get3A_400 = arith.index_cast %get3A_399 : i64 to index
      %get3A_401 = arith.index_cast %add3A_383 : i32 to index
      %get3A_402 = tpu.vector_load %arg4[%get3A_400, %get3A_401] {strides = array<i32>} : memref<16x512xf32, #tpu.memory_space<vmem>>, vector<1x16xf32>,
      %get3A_403 = vector.shape_cast %get3A_402 : vector<1x16xf32> to vector<16xf32>
      %get3A_404 = arith.constant 4 : i64
      %get3A_405 = arith.index_cast %get3A_404 : i64 to index
      %get3A_406 = arith.index_cast %add3A_383 : i32 to index
      %get3A_407 = tpu.vector_load %arg4[%get3A_405, %get3A_406] {strides = array<i32>} : memref<16x512xf32, #tpu.memory_space<vmem>>, vector<1x16xf32>,
      %get3A_408 = vector.shape_cast %get3A_407 : vector<1x16xf32> to vector<16xf32>
      %get3A_409 = arith.constant 5 : i64
      %get3A_410 = arith.index_cast %get3A_409 : i64 to index
      %get3A_411 = arith.index_cast %add3A_383 : i32 to index
      %get3A_412 = tpu.vector_load %arg4[%get3A_410, %get3A_411] {strides = array<i32>} : memref<16x512xf32, #tpu.memory_space<vmem>>, vector<1x16xf32>,
      %get3A_413 = vector.shape_cast %get3A_412 : vector<1x16xf32> to vector<16xf32>
      %get3A_414 = arith.constant 6 : i64
      %get3A_415 = arith.index_cast %get3A_414 : i64 to index
      %get3A_416 = arith.index_cast %add3A_383 : i32 to index
      %get3A_417 = tpu.vector_load %arg4[%get3A_415, %get3A_416] {strides = array<i32>} : memref<16x512xf32, #tpu.memory_space<vmem>>, vector<1x16xf32>,
      %get3A_418 = vector.shape_cast %get3A_417 : vector<1x16xf32> to vector<16xf32>
      %get3A_419 = arith.constant 7 : i64
      %get3A_420 = arith.index_cast %get3A_419 : i64 to index
      %get3A_421 = arith.index_cast %add3A_383 : i32 to index
      %get3A_422 = tpu.vector_load %arg4[%get3A_420, %get3A_421] {strides = array<i32>} : memref<16x512xf32, #tpu.memory_space<vmem>>, vector<1x16xf32>,
      %get3A_423 = vector.shape_cast %get3A_422 : vector<1x16xf32> to vector<16xf32>
      %get3A_424 = arith.constant 8 : i64
      %get3A_425 = arith.index_cast %get3A_424 : i64 to index
      %get3A_426 = arith.index_cast %add3A_383 : i32 to index
      %get3A_427 = tpu.vector_load %arg4[%get3A_425, %get3A_426] {strides = array<i32>} : memref<16x512xf32, #tpu.memory_space<vmem>>, vector<1x16xf32>,
      %get3A_428 = vector.shape_cast %get3A_427 : vector<1x16xf32> to vector<16xf32>
      %get3A_429 = arith.constant 9 : i64
      %get3A_430 = arith.index_cast %get3A_429 : i64 to index
      %get3A_431 = arith.index_cast %add3A_383 : i32 to index
      %get3A_432 = tpu.vector_load %arg4[%get3A_430, %get3A_431] {strides = array<i32>} : memref<16x512xf32, #tpu.memory_space<vmem>>, vector<1x16xf32>,
      %get3A_433 = vector.shape_cast %get3A_432 : vector<1x16xf32> to vector<16xf32>
      %get3A_434 = arith.constant 10 : i64
      %get3A_435 = arith.index_cast %get3A_434 : i64 to index
      %get3A_436 = arith.index_cast %add3A_383 : i32 to index
      %get3A_437 = tpu.vector_load %arg4[%get3A_435, %get3A_436] {strides = array<i32>} : memref<16x512xf32, #tpu.memory_space<vmem>>, vector<1x16xf32>,
      %get3A_438 = vector.shape_cast %get3A_437 : vector<1x16xf32> to vector<16xf32>
      %get3A_439 = arith.constant 11 : i64
      %get3A_440 = arith.index_cast %get3A_439 : i64 to index
      %get3A_441 = arith.index_cast %add3A_383 : i32 to index
      %get3A_442 = tpu.vector_load %arg4[%get3A_440, %get3A_441] {strides = array<i32>} : memref<16x512xf32, #tpu.memory_space<vmem>>, vector<1x16xf32>,
      %get3A_443 = vector.shape_cast %get3A_442 : vector<1x16xf32> to vector<16xf32>
      %get3A_444 = arith.constant 12 : i64
      %get3A_445 = arith.index_cast %get3A_444 : i64 to index
      %get3A_446 = arith.index_cast %add3A_383 : i32 to index
      %get3A_447 = tpu.vector_load %arg4[%get3A_445, %get3A_446] {strides = array<i32>} : memref<16x512xf32, #tpu.memory_space<vmem>>, vector<1x16xf32>,
      %get3A_448 = vector.shape_cast %get3A_447 : vector<1x16xf32> to vector<16xf32>
      %get3A_449 = arith.constant 13 : i64
      %get3A_450 = arith.index_cast %get3A_449 : i64 to index
      %get3A_451 = arith.index_cast %add3A_383 : i32 to index
      %get3A_452 = tpu.vector_load %arg4[%get3A_450, %get3A_451] {strides = array<i32>} : memref<16x512xf32, #tpu.memory_space<vmem>>, vector<1x16xf32>,
      %get3A_453 = vector.shape_cast %get3A_452 : vector<1x16xf32> to vector<16xf32>
      %get3A_454 = arith.constant 14 : i64
      %get3A_455 = arith.index_cast %get3A_454 : i64 to index
      %get3A_456 = arith.index_cast %add3A_383 : i32 to index
      %get3A_457 = tpu.vector_load %arg4[%get3A_455, %get3A_456] {strides = array<i32>} : memref<16x512xf32, #tpu.memory_space<vmem>>, vector<1x16xf32>,
      %get3A_458 = vector.shape_cast %get3A_457 : vector<1x16xf32> to vector<16xf32>
      %get3A_459 = arith.constant 15 : i64
      %get3A_460 = arith.index_cast %get3A_459 : i64 to index
      %get3A_461 = arith.index_cast %add3A_383 : i32 to index
      %get3A_462 = tpu.vector_load %arg4[%get3A_460, %get3A_461] {strides = array<i32>} : memref<16x512xf32, #tpu.memory_space<vmem>>, vector<1x16xf32>,
      %get3A_463 = vector.shape_cast %get3A_462 : vector<1x16xf32> to vector<16xf32>
      %min3A_464 = arith.minimumf %get3A_388, %get3A_393 : vector<16xf32>
      %max3A_465 = arith.maximumf %broadcast_in_dim3A_9, %min3A_464 : vector<16xf32>
      %max3A_466 = arith.maximumf %get3A_388, %get3A_393 : vector<16xf32>
      %min3A_467 = arith.minimumf %max3A_466, %get3A_398 : vector<16xf32>
      %max3A_468 = arith.maximumf %max3A_465, %min3A_467 : vector<16xf32>
      %max3A_469 = arith.maximumf %max3A_466, %get3A_398 : vector<16xf32>
      %min3A_470 = arith.minimumf %max3A_469, %get3A_403 : vector<16xf32>
      %max3A_471 = arith.maximumf %max3A_468, %min3A_470 : vector<16xf32>
      %max3A_472 = arith.maximumf %max3A_469, %get3A_403 : vector<16xf32>
      %min3A_473 = arith.minimumf %max3A_472, %get3A_408 : vector<16xf32>
      %max3A_474 = arith.maximumf %max3A_471, %min3A_473 : vector<16xf32>
      %max3A_475 = arith.maximumf %max3A_472, %get3A_408 : vector<16xf32>
      %min3A_476 = arith.minimumf %max3A_475, %get3A_413 : vector<16xf32>
      %max3A_477 = arith.maximumf %max3A_474, %min3A_476 : vector<16xf32>
      %max3A_478 = arith.maximumf %max3A_475, %get3A_413 : vector<16xf32>
      %min3A_479 = arith.minimumf %max3A_478, %get3A_418 : vector<16xf32>
      %max3A_480 = arith.maximumf %max3A_477, %min3A_479 : vector<16xf32>
      %max3A_481 = arith.maximumf %max3A_478, %get3A_418 : vector<16xf32>
      %min3A_482 = arith.minimumf %max3A_481, %get3A_423 : vector<16xf32>
      %max3A_483 = arith.maximumf %max3A_480, %min3A_482 : vector<16xf32>
      %max3A_484 = arith.maximumf %max3A_481, %get3A_423 : vector<16xf32>
      %min3A_485 = arith.minimumf %max3A_484, %get3A_428 : vector<16xf32>
      %max3A_486 = arith.maximumf %max3A_483, %min3A_485 : vector<16xf32>
      %max3A_487 = arith.maximumf %max3A_484, %get3A_428 : vector<16xf32>
      %min3A_488 = arith.minimumf %max3A_487, %get3A_433 : vector<16xf32>
      %max3A_489 = arith.maximumf %max3A_486, %min3A_488 : vector<16xf32>
      %max3A_490 = arith.maximumf %max3A_487, %get3A_433 : vector<16xf32>
      %min3A_491 = arith.minimumf %max3A_490, %get3A_438 : vector<16xf32>
      %max3A_492 = arith.maximumf %max3A_489, %min3A_491 : vector<16xf32>
      %max3A_493 = arith.maximumf %max3A_490, %get3A_438 : vector<16xf32>
      %min3A_494 = arith.minimumf %max3A_493, %get3A_443 : vector<16xf32>
      %max3A_495 = arith.maximumf %max3A_492, %min3A_494 : vector<16xf32>
      %max3A_496 = arith.maximumf %max3A_493, %get3A_443 : vector<16xf32>
      %min3A_497 = arith.minimumf %max3A_496, %get3A_448 : vector<16xf32>
      %max3A_498 = arith.maximumf %max3A_495, %min3A_497 : vector<16xf32>
      %max3A_499 = arith.maximumf %max3A_496, %get3A_448 : vector<16xf32>
      %min3A_500 = arith.minimumf %max3A_499, %get3A_453 : vector<16xf32>
      %max3A_501 = arith.maximumf %max3A_498, %min3A_500 : vector<16xf32>
      %max3A_502 = arith.maximumf %max3A_499, %get3A_453 : vector<16xf32>
      %min3A_503 = arith.minimumf %max3A_502, %get3A_458 : vector<16xf32>
      %max3A_504 = arith.maximumf %max3A_501, %min3A_503 : vector<16xf32>
      %max3A_505 = arith.maximumf %max3A_502, %get3A_458 : vector<16xf32>
      %min3A_506 = arith.minimumf %max3A_505, %get3A_463 : vector<16xf32>
      %max3A_507 = arith.maximumf %max3A_504, %min3A_506 : vector<16xf32>
      %max3A_508 = arith.maximumf %max3A_505, %get3A_463 : vector<16xf32>
      %gt3A_509 = arith.cmpf ogt, %max3A_508, %max3A_507 : vector<16xf32>
      %select_n3A_510 = arith.select %gt3A_509, %broadcast_in_dim3A_3, %broadcast_in_dim3A_7 : vector<16xi1>, vector<16xi32>
      %eq3A_511 = arith.cmpf oeq, %get3A_388, %max3A_507 : vector<16xf32>
      %select_n3A_512 = arith.select %eq3A_511, %broadcast_in_dim3A_3, %broadcast_in_dim3A_5 : vector<16xi1>, vector<16xi32>
      %gt3A_513 = arith.cmpf ogt, %get3A_388, %max3A_507 : vector<16xf32>
      %select_n3A_514 = arith.select %gt3A_513, %broadcast_in_dim3A_3, %broadcast_in_dim3A_5 : vector<16xi1>, vector<16xi32>
      %lt3A_515 = arith.cmpi slt, %broadcast_in_dim3A_5, %select_n3A_510 : vector<16xi32>
      %select_n3A_516 = arith.select %lt3A_515, %broadcast_in_dim3A_3, %broadcast_in_dim3A_5 : vector<16xi1>, vector<16xi32>
      %and3A_517 = arith.andi %select_n3A_512, %select_n3A_516 : vector<16xi32>
      %or3A_518 = arith.ori %select_n3A_514, %and3A_517 : vector<16xi32>
      %swap3A_519 = arith.constant 0 : i64
      %swap3A_520 = arith.index_cast %swap3A_519 : i64 to index
      %swap3A_521 = arith.index_cast %add3A_383 : i32 to index
      %swap3A_522 = tpu.vector_load %arg5[%swap3A_520, %swap3A_521] {strides = array<i32>} : memref<16x512xi32, #tpu.memory_space<vmem>>, vector<1x16xi32>,
      %swap3A_523 = vector.shape_cast %swap3A_522 : vector<1x16xi32> to vector<16xi32>
      %swap3A_524 = vector.shape_cast %or3A_518 : vector<16xi32> to vector<1x16xi32>
      tpu.vector_store %arg5[%swap3A_520, %swap3A_521], %swap3A_524 {strides = array<i32>} : memref<16x512xi32, #tpu.memory_space<vmem>>, vector<1x16xi32>,
      %add3A_525 = arith.addi %broadcast_in_dim3A_5, %select_n3A_512 : vector<16xi32>
      %eq3A_526 = arith.cmpf oeq, %get3A_393, %max3A_507 : vector<16xf32>
      %select_n3A_527 = arith.select %eq3A_526, %broadcast_in_dim3A_3, %broadcast_in_dim3A_5 : vector<16xi1>, vector<16xi32>
      %gt3A_528 = arith.cmpf ogt, %get3A_393, %max3A_507 : vector<16xf32>
      %select_n3A_529 = arith.select %gt3A_528, %broadcast_in_dim3A_3, %broadcast_in_dim3A_5 : vector<16xi1>, vector<16xi32>
      %lt3A_530 = arith.cmpi slt, %add3A_525, %select_n3A_510 : vector<16xi32>
      %select_n3A_531 = arith.select %lt3A_530, %broadcast_in_dim3A_3, %broadcast_in_dim3A_5 : vector<16xi1>, vector<16xi32>
      %and3A_532 = arith.andi %select_n3A_527, %select_n3A_531 : vector<16xi32>
      %or3A_533 = arith.ori %select_n3A_529, %and3A_532 : vector<16xi32>
      %swap3A_534 = arith.constant 1 : i64
      %swap3A_535 = arith.index_cast %swap3A_534 : i64 to index
      %swap3A_536 = arith.index_cast %add3A_383 : i32 to index
      %swap3A_537 = tpu.vector_load %arg5[%swap3A_535, %swap3A_536] {strides = array<i32>} : memref<16x512xi32, #tpu.memory_space<vmem>>, vector<1x16xi32>,
      %swap3A_538 = vector.shape_cast %swap3A_537 : vector<1x16xi32> to vector<16xi32>
      %swap3A_539 = vector.shape_cast %or3A_533 : vector<16xi32> to vector<1x16xi32>
      tpu.vector_store %arg5[%swap3A_535, %swap3A_536], %swap3A_539 {strides = array<i32>} : memref<16x512xi32, #tpu.memory_space<vmem>>, vector<1x16xi32>,
      %add3A_540 = arith.addi %add3A_525, %select_n3A_527 : vector<16xi32>
      %eq3A_541 = arith.cmpf oeq, %get3A_398, %max3A_507 : vector<16xf32>
      %select_n3A_542 = arith.select %eq3A_541, %broadcast_in_dim3A_3, %broadcast_in_dim3A_5 : vector<16xi1>, vector<16xi32>
      %gt3A_543 = arith.cmpf ogt, %get3A_398, %max3A_507 : vector<16xf32>
      %select_n3A_544 = arith.select %gt3A_543, %broadcast_in_dim3A_3, %broadcast_in_dim3A_5 : vector<16xi1>, vector<16xi32>
      %lt3A_545 = arith.cmpi slt, %add3A_540, %select_n3A_510 : vector<16xi32>
      %select_n3A_546 = arith.select %lt3A_545, %broadcast_in_dim3A_3, %broadcast_in_dim3A_5 : vector<16xi1>, vector<16xi32>
      %and3A_547 = arith.andi %select_n3A_542, %select_n3A_546 : vector<16xi32>
      %or3A_548 = arith.ori %select_n3A_544, %and3A_547 : vector<16xi32>
      %swap3A_549 = arith.constant 2 : i64
      %swap3A_550 = arith.index_cast %swap3A_549 : i64 to index
      %swap3A_551 = arith.index_cast %add3A_383 : i32 to index
      %swap3A_552 = tpu.vector_load %arg5[%swap3A_550, %swap3A_551] {strides = array<i32>} : memref<16x512xi32, #tpu.memory_space<vmem>>, vector<1x16xi32>,
      %swap3A_553 = vector.shape_cast %swap3A_552 : vector<1x16xi32> to vector<16xi32>
      %swap3A_554 = vector.shape_cast %or3A_548 : vector<16xi32> to vector<1x16xi32>
      tpu.vector_store %arg5[%swap3A_550, %swap3A_551], %swap3A_554 {strides = array<i32>} : memref<16x512xi32, #tpu.memory_space<vmem>>, vector<1x16xi32>,
      %add3A_555 = arith.addi %add3A_540, %select_n3A_542 : vector<16xi32>
      %eq3A_556 = arith.cmpf oeq, %get3A_403, %max3A_507 : vector<16xf32>
      %select_n3A_557 = arith.select %eq3A_556, %broadcast_in_dim3A_3, %broadcast_in_dim3A_5 : vector<16xi1>, vector<16xi32>
      %gt3A_558 = arith.cmpf ogt, %get3A_403, %max3A_507 : vector<16xf32>
      %select_n3A_559 = arith.select %gt3A_558, %broadcast_in_dim3A_3, %broadcast_in_dim3A_5 : vector<16xi1>, vector<16xi32>
      %lt3A_560 = arith.cmpi slt, %add3A_555, %select_n3A_510 : vector<16xi32>
      %select_n3A_561 = arith.select %lt3A_560, %broadcast_in_dim3A_3, %broadcast_in_dim3A_5 : vector<16xi1>, vector<16xi32>
      %and3A_562 = arith.andi %select_n3A_557, %select_n3A_561 : vector<16xi32>
      %or3A_563 = arith.ori %select_n3A_559, %and3A_562 : vector<16xi32>
      %swap3A_564 = arith.constant 3 : i64
      %swap3A_565 = arith.index_cast %swap3A_564 : i64 to index
      %swap3A_566 = arith.index_cast %add3A_383 : i32 to index
      %swap3A_567 = tpu.vector_load %arg5[%swap3A_565, %swap3A_566] {strides = array<i32>} : memref<16x512xi32, #tpu.memory_space<vmem>>, vector<1x16xi32>,
      %swap3A_568 = vector.shape_cast %swap3A_567 : vector<1x16xi32> to vector<16xi32>
      %swap3A_569 = vector.shape_cast %or3A_563 : vector<16xi32> to vector<1x16xi32>
      tpu.vector_store %arg5[%swap3A_565, %swap3A_566], %swap3A_569 {strides = array<i32>} : memref<16x512xi32, #tpu.memory_space<vmem>>, vector<1x16xi32>,
      %add3A_570 = arith.addi %add3A_555, %select_n3A_557 : vector<16xi32>
      %eq3A_571 = arith.cmpf oeq, %get3A_408, %max3A_507 : vector<16xf32>
      %select_n3A_572 = arith.select %eq3A_571, %broadcast_in_dim3A_3, %broadcast_in_dim3A_5 : vector<16xi1>, vector<16xi32>
      %gt3A_573 = arith.cmpf ogt, %get3A_408, %max3A_507 : vector<16xf32>
      %select_n3A_574 = arith.select %gt3A_573, %broadcast_in_dim3A_3, %broadcast_in_dim3A_5 : vector<16xi1>, vector<16xi32>
      %lt3A_575 = arith.cmpi slt, %add3A_570, %select_n3A_510 : vector<16xi32>
      %select_n3A_576 = arith.select %lt3A_575, %broadcast_in_dim3A_3, %broadcast_in_dim3A_5 : vector<16xi1>, vector<16xi32>
      %and3A_577 = arith.andi %select_n3A_572, %select_n3A_576 : vector<16xi32>
      %or3A_578 = arith.ori %select_n3A_574, %and3A_577 : vector<16xi32>
      %swap3A_579 = arith.constant 4 : i64
      %swap3A_580 = arith.index_cast %swap3A_579 : i64 to index
      %swap3A_581 = arith.index_cast %add3A_383 : i32 to index
      %swap3A_582 = tpu.vector_load %arg5[%swap3A_580, %swap3A_581] {strides = array<i32>} : memref<16x512xi32, #tpu.memory_space<vmem>>, vector<1x16xi32>,
      %swap3A_583 = vector.shape_cast %swap3A_582 : vector<1x16xi32> to vector<16xi32>
      %swap3A_584 = vector.shape_cast %or3A_578 : vector<16xi32> to vector<1x16xi32>
      tpu.vector_store %arg5[%swap3A_580, %swap3A_581], %swap3A_584 {strides = array<i32>} : memref<16x512xi32, #tpu.memory_space<vmem>>, vector<1x16xi32>,
      %add3A_585 = arith.addi %add3A_570, %select_n3A_572 : vector<16xi32>
      %eq3A_586 = arith.cmpf oeq, %get3A_413, %max3A_507 : vector<16xf32>
      %select_n3A_587 = arith.select %eq3A_586, %broadcast_in_dim3A_3, %broadcast_in_dim3A_5 : vector<16xi1>, vector<16xi32>
      %gt3A_588 = arith.cmpf ogt, %get3A_413, %max3A_507 : vector<16xf32>
      %select_n3A_589 = arith.select %gt3A_588, %broadcast_in_dim3A_3, %broadcast_in_dim3A_5 : vector<16xi1>, vector<16xi32>
      %lt3A_590 = arith.cmpi slt, %add3A_585, %select_n3A_510 : vector<16xi32>
      %select_n3A_591 = arith.select %lt3A_590, %broadcast_in_dim3A_3, %broadcast_in_dim3A_5 : vector<16xi1>, vector<16xi32>
      %and3A_592 = arith.andi %select_n3A_587, %select_n3A_591 : vector<16xi32>
      %or3A_593 = arith.ori %select_n3A_589, %and3A_592 : vector<16xi32>
      %swap3A_594 = arith.constant 5 : i64
      %swap3A_595 = arith.index_cast %swap3A_594 : i64 to index
      %swap3A_596 = arith.index_cast %add3A_383 : i32 to index
      %swap3A_597 = tpu.vector_load %arg5[%swap3A_595, %swap3A_596] {strides = array<i32>} : memref<16x512xi32, #tpu.memory_space<vmem>>, vector<1x16xi32>,
      %swap3A_598 = vector.shape_cast %swap3A_597 : vector<1x16xi32> to vector<16xi32>
      %swap3A_599 = vector.shape_cast %or3A_593 : vector<16xi32> to vector<1x16xi32>
      tpu.vector_store %arg5[%swap3A_595, %swap3A_596], %swap3A_599 {strides = array<i32>} : memref<16x512xi32, #tpu.memory_space<vmem>>, vector<1x16xi32>,
      %add3A_600 = arith.addi %add3A_585, %select_n3A_587 : vector<16xi32>
      %eq3A_601 = arith.cmpf oeq, %get3A_418, %max3A_507 : vector<16xf32>
      %select_n3A_602 = arith.select %eq3A_601, %broadcast_in_dim3A_3, %broadcast_in_dim3A_5 : vector<16xi1>, vector<16xi32>
      %gt3A_603 = arith.cmpf ogt, %get3A_418, %max3A_507 : vector<16xf32>
      %select_n3A_604 = arith.select %gt3A_603, %broadcast_in_dim3A_3, %broadcast_in_dim3A_5 : vector<16xi1>, vector<16xi32>
      %lt3A_605 = arith.cmpi slt, %add3A_600, %select_n3A_510 : vector<16xi32>
      %select_n3A_606 = arith.select %lt3A_605, %broadcast_in_dim3A_3, %broadcast_in_dim3A_5 : vector<16xi1>, vector<16xi32>
      %and3A_607 = arith.andi %select_n3A_602, %select_n3A_606 : vector<16xi32>
      %or3A_608 = arith.ori %select_n3A_604, %and3A_607 : vector<16xi32>
      %swap3A_609 = arith.constant 6 : i64
      %swap3A_610 = arith.index_cast %swap3A_609 : i64 to index
      %swap3A_611 = arith.index_cast %add3A_383 : i32 to index
      %swap3A_612 = tpu.vector_load %arg5[%swap3A_610, %swap3A_611] {strides = array<i32>} : memref<16x512xi32, #tpu.memory_space<vmem>>, vector<1x16xi32>,
      %swap3A_613 = vector.shape_cast %swap3A_612 : vector<1x16xi32> to vector<16xi32>
      %swap3A_614 = vector.shape_cast %or3A_608 : vector<16xi32> to vector<1x16xi32>
      tpu.vector_store %arg5[%swap3A_610, %swap3A_611], %swap3A_614 {strides = array<i32>} : memref<16x512xi32, #tpu.memory_space<vmem>>, vector<1x16xi32>,
      %add3A_615 = arith.addi %add3A_600, %select_n3A_602 : vector<16xi32>
      %eq3A_616 = arith.cmpf oeq, %get3A_423, %max3A_507 : vector<16xf32>
      %select_n3A_617 = arith.select %eq3A_616, %broadcast_in_dim3A_3, %broadcast_in_dim3A_5 : vector<16xi1>, vector<16xi32>
      %gt3A_618 = arith.cmpf ogt, %get3A_423, %max3A_507 : vector<16xf32>
      %select_n3A_619 = arith.select %gt3A_618, %broadcast_in_dim3A_3, %broadcast_in_dim3A_5 : vector<16xi1>, vector<16xi32>
      %lt3A_620 = arith.cmpi slt, %add3A_615, %select_n3A_510 : vector<16xi32>
      %select_n3A_621 = arith.select %lt3A_620, %broadcast_in_dim3A_3, %broadcast_in_dim3A_5 : vector<16xi1>, vector<16xi32>
      %and3A_622 = arith.andi %select_n3A_617, %select_n3A_621 : vector<16xi32>
      %or3A_623 = arith.ori %select_n3A_619, %and3A_622 : vector<16xi32>
      %swap3A_624 = arith.constant 7 : i64
      %swap3A_625 = arith.index_cast %swap3A_624 : i64 to index
      %swap3A_626 = arith.index_cast %add3A_383 : i32 to index
      %swap3A_627 = tpu.vector_load %arg5[%swap3A_625, %swap3A_626] {strides = array<i32>} : memref<16x512xi32, #tpu.memory_space<vmem>>, vector<1x16xi32>,
      %swap3A_628 = vector.shape_cast %swap3A_627 : vector<1x16xi32> to vector<16xi32>
      %swap3A_629 = vector.shape_cast %or3A_623 : vector<16xi32> to vector<1x16xi32>
      tpu.vector_store %arg5[%swap3A_625, %swap3A_626], %swap3A_629 {strides = array<i32>} : memref<16x512xi32, #tpu.memory_space<vmem>>, vector<1x16xi32>,
      %add3A_630 = arith.addi %add3A_615, %select_n3A_617 : vector<16xi32>
      %eq3A_631 = arith.cmpf oeq, %get3A_428, %max3A_507 : vector<16xf32>
      %select_n3A_632 = arith.select %eq3A_631, %broadcast_in_dim3A_3, %broadcast_in_dim3A_5 : vector<16xi1>, vector<16xi32>
      %gt3A_633 = arith.cmpf ogt, %get3A_428, %max3A_507 : vector<16xf32>
      %select_n3A_634 = arith.select %gt3A_633, %broadcast_in_dim3A_3, %broadcast_in_dim3A_5 : vector<16xi1>, vector<16xi32>
      %lt3A_635 = arith.cmpi slt, %add3A_630, %select_n3A_510 : vector<16xi32>
      %select_n3A_636 = arith.select %lt3A_635, %broadcast_in_dim3A_3, %broadcast_in_dim3A_5 : vector<16xi1>, vector<16xi32>
      %and3A_637 = arith.andi %select_n3A_632, %select_n3A_636 : vector<16xi32>
      %or3A_638 = arith.ori %select_n3A_634, %and3A_637 : vector<16xi32>
      %swap3A_639 = arith.constant 8 : i64
      %swap3A_640 = arith.index_cast %swap3A_639 : i64 to index
      %swap3A_641 = arith.index_cast %add3A_383 : i32 to index
      %swap3A_642 = tpu.vector_load %arg5[%swap3A_640, %swap3A_641] {strides = array<i32>} : memref<16x512xi32, #tpu.memory_space<vmem>>, vector<1x16xi32>,
      %swap3A_643 = vector.shape_cast %swap3A_642 : vector<1x16xi32> to vector<16xi32>
      %swap3A_644 = vector.shape_cast %or3A_638 : vector<16xi32> to vector<1x16xi32>
      tpu.vector_store %arg5[%swap3A_640, %swap3A_641], %swap3A_644 {strides = array<i32>} : memref<16x512xi32, #tpu.memory_space<vmem>>, vector<1x16xi32>,
      %add3A_645 = arith.addi %add3A_630, %select_n3A_632 : vector<16xi32>
      %eq3A_646 = arith.cmpf oeq, %get3A_433, %max3A_507 : vector<16xf32>
      %select_n3A_647 = arith.select %eq3A_646, %broadcast_in_dim3A_3, %broadcast_in_dim3A_5 : vector<16xi1>, vector<16xi32>
      %gt3A_648 = arith.cmpf ogt, %get3A_433, %max3A_507 : vector<16xf32>
      %select_n3A_649 = arith.select %gt3A_648, %broadcast_in_dim3A_3, %broadcast_in_dim3A_5 : vector<16xi1>, vector<16xi32>
      %lt3A_650 = arith.cmpi slt, %add3A_645, %select_n3A_510 : vector<16xi32>
      %select_n3A_651 = arith.select %lt3A_650, %broadcast_in_dim3A_3, %broadcast_in_dim3A_5 : vector<16xi1>, vector<16xi32>
      %and3A_652 = arith.andi %select_n3A_647, %select_n3A_651 : vector<16xi32>
      %or3A_653 = arith.ori %select_n3A_649, %and3A_652 : vector<16xi32>
      %swap3A_654 = arith.constant 9 : i64
      %swap3A_655 = arith.index_cast %swap3A_654 : i64 to index
      %swap3A_656 = arith.index_cast %add3A_383 : i32 to index
      %swap3A_657 = tpu.vector_load %arg5[%swap3A_655, %swap3A_656] {strides = array<i32>} : memref<16x512xi32, #tpu.memory_space<vmem>>, vector<1x16xi32>,
      %swap3A_658 = vector.shape_cast %swap3A_657 : vector<1x16xi32> to vector<16xi32>
      %swap3A_659 = vector.shape_cast %or3A_653 : vector<16xi32> to vector<1x16xi32>
      tpu.vector_store %arg5[%swap3A_655, %swap3A_656], %swap3A_659 {strides = array<i32>} : memref<16x512xi32, #tpu.memory_space<vmem>>, vector<1x16xi32>,
      %add3A_660 = arith.addi %add3A_645, %select_n3A_647 : vector<16xi32>
      %eq3A_661 = arith.cmpf oeq, %get3A_438, %max3A_507 : vector<16xf32>
      %select_n3A_662 = arith.select %eq3A_661, %broadcast_in_dim3A_3, %broadcast_in_dim3A_5 : vector<16xi1>, vector<16xi32>
      %gt3A_663 = arith.cmpf ogt, %get3A_438, %max3A_507 : vector<16xf32>
      %select_n3A_664 = arith.select %gt3A_663, %broadcast_in_dim3A_3, %broadcast_in_dim3A_5 : vector<16xi1>, vector<16xi32>
      %lt3A_665 = arith.cmpi slt, %add3A_660, %select_n3A_510 : vector<16xi32>
      %select_n3A_666 = arith.select %lt3A_665, %broadcast_in_dim3A_3, %broadcast_in_dim3A_5 : vector<16xi1>, vector<16xi32>
      %and3A_667 = arith.andi %select_n3A_662, %select_n3A_666 : vector<16xi32>
      %or3A_668 = arith.ori %select_n3A_664, %and3A_667 : vector<16xi32>
      %swap3A_669 = arith.constant 10 : i64
      %swap3A_670 = arith.index_cast %swap3A_669 : i64 to index
      %swap3A_671 = arith.index_cast %add3A_383 : i32 to index
      %swap3A_672 = tpu.vector_load %arg5[%swap3A_670, %swap3A_671] {strides = array<i32>} : memref<16x512xi32, #tpu.memory_space<vmem>>, vector<1x16xi32>,
      %swap3A_673 = vector.shape_cast %swap3A_672 : vector<1x16xi32> to vector<16xi32>
      %swap3A_674 = vector.shape_cast %or3A_668 : vector<16xi32> to vector<1x16xi32>
      tpu.vector_store %arg5[%swap3A_670, %swap3A_671], %swap3A_674 {strides = array<i32>} : memref<16x512xi32, #tpu.memory_space<vmem>>, vector<1x16xi32>,
      %add3A_675 = arith.addi %add3A_660, %select_n3A_662 : vector<16xi32>
      %eq3A_676 = arith.cmpf oeq, %get3A_443, %max3A_507 : vector<16xf32>
      %select_n3A_677 = arith.select %eq3A_676, %broadcast_in_dim3A_3, %broadcast_in_dim3A_5 : vector<16xi1>, vector<16xi32>
      %gt3A_678 = arith.cmpf ogt, %get3A_443, %max3A_507 : vector<16xf32>
      %select_n3A_679 = arith.select %gt3A_678, %broadcast_in_dim3A_3, %broadcast_in_dim3A_5 : vector<16xi1>, vector<16xi32>
      %lt3A_680 = arith.cmpi slt, %add3A_675, %select_n3A_510 : vector<16xi32>
      %select_n3A_681 = arith.select %lt3A_680, %broadcast_in_dim3A_3, %broadcast_in_dim3A_5 : vector<16xi1>, vector<16xi32>
      %and3A_682 = arith.andi %select_n3A_677, %select_n3A_681 : vector<16xi32>
      %or3A_683 = arith.ori %select_n3A_679, %and3A_682 : vector<16xi32>
      %swap3A_684 = arith.constant 11 : i64
      %swap3A_685 = arith.index_cast %swap3A_684 : i64 to index
      %swap3A_686 = arith.index_cast %add3A_383 : i32 to index
      %swap3A_687 = tpu.vector_load %arg5[%swap3A_685, %swap3A_686] {strides = array<i32>} : memref<16x512xi32, #tpu.memory_space<vmem>>, vector<1x16xi32>,
      %swap3A_688 = vector.shape_cast %swap3A_687 : vector<1x16xi32> to vector<16xi32>
      %swap3A_689 = vector.shape_cast %or3A_683 : vector<16xi32> to vector<1x16xi32>
      tpu.vector_store %arg5[%swap3A_685, %swap3A_686], %swap3A_689 {strides = array<i32>} : memref<16x512xi32, #tpu.memory_space<vmem>>, vector<1x16xi32>,
      %add3A_690 = arith.addi %add3A_675, %select_n3A_677 : vector<16xi32>
      %eq3A_691 = arith.cmpf oeq, %get3A_448, %max3A_507 : vector<16xf32>
      %select_n3A_692 = arith.select %eq3A_691, %broadcast_in_dim3A_3, %broadcast_in_dim3A_5 : vector<16xi1>, vector<16xi32>
      %gt3A_693 = arith.cmpf ogt, %get3A_448, %max3A_507 : vector<16xf32>
      %select_n3A_694 = arith.select %gt3A_693, %broadcast_in_dim3A_3, %broadcast_in_dim3A_5 : vector<16xi1>, vector<16xi32>
      %lt3A_695 = arith.cmpi slt, %add3A_690, %select_n3A_510 : vector<16xi32>
      %select_n3A_696 = arith.select %lt3A_695, %broadcast_in_dim3A_3, %broadcast_in_dim3A_5 : vector<16xi1>, vector<16xi32>
      %and3A_697 = arith.andi %select_n3A_692, %select_n3A_696 : vector<16xi32>
      %or3A_698 = arith.ori %select_n3A_694, %and3A_697 : vector<16xi32>
      %swap3A_699 = arith.constant 12 : i64
      %swap3A_700 = arith.index_cast %swap3A_699 : i64 to index
      %swap3A_701 = arith.index_cast %add3A_383 : i32 to index
      %swap3A_702 = tpu.vector_load %arg5[%swap3A_700, %swap3A_701] {strides = array<i32>} : memref<16x512xi32, #tpu.memory_space<vmem>>, vector<1x16xi32>,
      %swap3A_703 = vector.shape_cast %swap3A_702 : vector<1x16xi32> to vector<16xi32>
      %swap3A_704 = vector.shape_cast %or3A_698 : vector<16xi32> to vector<1x16xi32>
      tpu.vector_store %arg5[%swap3A_700, %swap3A_701], %swap3A_704 {strides = array<i32>} : memref<16x512xi32, #tpu.memory_space<vmem>>, vector<1x16xi32>,
      %add3A_705 = arith.addi %add3A_690, %select_n3A_692 : vector<16xi32>
      %eq3A_706 = arith.cmpf oeq, %get3A_453, %max3A_507 : vector<16xf32>
      %select_n3A_707 = arith.select %eq3A_706, %broadcast_in_dim3A_3, %broadcast_in_dim3A_5 : vector<16xi1>, vector<16xi32>
      %gt3A_708 = arith.cmpf ogt, %get3A_453, %max3A_507 : vector<16xf32>
      %select_n3A_709 = arith.select %gt3A_708, %broadcast_in_dim3A_3, %broadcast_in_dim3A_5 : vector<16xi1>, vector<16xi32>
      %lt3A_710 = arith.cmpi slt, %add3A_705, %select_n3A_510 : vector<16xi32>
      %select_n3A_711 = arith.select %lt3A_710, %broadcast_in_dim3A_3, %broadcast_in_dim3A_5 : vector<16xi1>, vector<16xi32>
      %and3A_712 = arith.andi %select_n3A_707, %select_n3A_711 : vector<16xi32>
      %or3A_713 = arith.ori %select_n3A_709, %and3A_712 : vector<16xi32>
      %swap3A_714 = arith.constant 13 : i64
      %swap3A_715 = arith.index_cast %swap3A_714 : i64 to index
      %swap3A_716 = arith.index_cast %add3A_383 : i32 to index
      %swap3A_717 = tpu.vector_load %arg5[%swap3A_715, %swap3A_716] {strides = array<i32>} : memref<16x512xi32, #tpu.memory_space<vmem>>, vector<1x16xi32>,
      %swap3A_718 = vector.shape_cast %swap3A_717 : vector<1x16xi32> to vector<16xi32>
      %swap3A_719 = vector.shape_cast %or3A_713 : vector<16xi32> to vector<1x16xi32>
      tpu.vector_store %arg5[%swap3A_715, %swap3A_716], %swap3A_719 {strides = array<i32>} : memref<16x512xi32, #tpu.memory_space<vmem>>, vector<1x16xi32>,
      %add3A_720 = arith.addi %add3A_705, %select_n3A_707 : vector<16xi32>
      %eq3A_721 = arith.cmpf oeq, %get3A_458, %max3A_507 : vector<16xf32>
      %select_n3A_722 = arith.select %eq3A_721, %broadcast_in_dim3A_3, %broadcast_in_dim3A_5 : vector<16xi1>, vector<16xi32>
      %gt3A_723 = arith.cmpf ogt, %get3A_458, %max3A_507 : vector<16xf32>
      %select_n3A_724 = arith.select %gt3A_723, %broadcast_in_dim3A_3, %broadcast_in_dim3A_5 : vector<16xi1>, vector<16xi32>
      %lt3A_725 = arith.cmpi slt, %add3A_720, %select_n3A_510 : vector<16xi32>
      %select_n3A_726 = arith.select %lt3A_725, %broadcast_in_dim3A_3, %broadcast_in_dim3A_5 : vector<16xi1>, vector<16xi32>
      %and3A_727 = arith.andi %select_n3A_722, %select_n3A_726 : vector<16xi32>
      %or3A_728 = arith.ori %select_n3A_724, %and3A_727 : vector<16xi32>
      %swap3A_729 = arith.constant 14 : i64
      %swap3A_730 = arith.index_cast %swap3A_729 : i64 to index
      %swap3A_731 = arith.index_cast %add3A_383 : i32 to index
      %swap3A_732 = tpu.vector_load %arg5[%swap3A_730, %swap3A_731] {strides = array<i32>} : memref<16x512xi32, #tpu.memory_space<vmem>>, vector<1x16xi32>,
      %swap3A_733 = vector.shape_cast %swap3A_732 : vector<1x16xi32> to vector<16xi32>
      %swap3A_734 = vector.shape_cast %or3A_728 : vector<16xi32> to vector<1x16xi32>
      tpu.vector_store %arg5[%swap3A_730, %swap3A_731], %swap3A_734 {strides = array<i32>} : memref<16x512xi32, #tpu.memory_space<vmem>>, vector<1x16xi32>,
      %add3A_735 = arith.addi %add3A_720, %select_n3A_722 : vector<16xi32>
      %eq3A_736 = arith.cmpf oeq, %get3A_463, %max3A_507 : vector<16xf32>
      %select_n3A_737 = arith.select %eq3A_736, %broadcast_in_dim3A_3, %broadcast_in_dim3A_5 : vector<16xi1>, vector<16xi32>
      %gt3A_738 = arith.cmpf ogt, %get3A_463, %max3A_507 : vector<16xf32>
      %select_n3A_739 = arith.select %gt3A_738, %broadcast_in_dim3A_3, %broadcast_in_dim3A_5 : vector<16xi1>, vector<16xi32>
      %lt3A_740 = arith.cmpi slt, %add3A_735, %select_n3A_510 : vector<16xi32>
      %select_n3A_741 = arith.select %lt3A_740, %broadcast_in_dim3A_3, %broadcast_in_dim3A_5 : vector<16xi1>, vector<16xi32>
      %and3A_742 = arith.andi %select_n3A_737, %select_n3A_741 : vector<16xi32>
      %or3A_743 = arith.ori %select_n3A_739, %and3A_742 : vector<16xi32>
      %swap3A_744 = arith.constant 15 : i64
      %swap3A_745 = arith.index_cast %swap3A_744 : i64 to index
      %swap3A_746 = arith.index_cast %add3A_383 : i32 to index
      %swap3A_747 = tpu.vector_load %arg5[%swap3A_745, %swap3A_746] {strides = array<i32>} : memref<16x512xi32, #tpu.memory_space<vmem>>, vector<1x16xi32>,
      %swap3A_748 = vector.shape_cast %swap3A_747 : vector<1x16xi32> to vector<16xi32>
      %swap3A_749 = vector.shape_cast %or3A_743 : vector<16xi32> to vector<1x16xi32>
      tpu.vector_store %arg5[%swap3A_745, %swap3A_746], %swap3A_749 {strides = array<i32>} : memref<16x512xi32, #tpu.memory_space<vmem>>, vector<1x16xi32>,
      %add3A_750 = arith.addi %add3A_735, %select_n3A_737 : vector<16xi32>
    }
    %while3A_19 = arith.constant 1 : i32
    scf.for %while3A_20 = %while3A_17 to %while3A_13 step %while3A_19  : i32 {
      %mul3A_21 = arith.constant 32 : i32
      %mul3A_22 = arith.muli %while3A_20, %mul3A_21 : i32
      %get3A = arith.constant 0 : i64
      %get3A_23 = arith.index_cast %get3A : i64 to index
      %get3A_24 = arith.index_cast %mul3A_22 : i32 to index
      %get3A_25 = tpu.vector_load %arg4[%get3A_23, %get3A_24] {strides = array<i32>} : memref<16x512xf32, #tpu.memory_space<vmem>>, vector<1x16xf32>,
      %get3A_26 = vector.shape_cast %get3A_25 : vector<1x16xf32> to vector<16xf32>
      %get3A_27 = arith.constant 1 : i64
      %get3A_28 = arith.index_cast %get3A_27 : i64 to index
      %get3A_29 = arith.index_cast %mul3A_22 : i32 to index
      %get3A_30 = tpu.vector_load %arg4[%get3A_28, %get3A_29] {strides = array<i32>} : memref<16x512xf32, #tpu.memory_space<vmem>>, vector<1x16xf32>,
      %get3A_31 = vector.shape_cast %get3A_30 : vector<1x16xf32> to vector<16xf32>
      %get3A_32 = arith.constant 2 : i64
      %get3A_33 = arith.index_cast %get3A_32 : i64 to index
      %get3A_34 = arith.index_cast %mul3A_22 : i32 to index
      %get3A_35 = tpu.vector_load %arg4[%get3A_33, %get3A_34] {strides = array<i32>} : memref<16x512xf32, #tpu.memory_space<vmem>>, vector<1x16xf32>,
      %get3A_36 = vector.shape_cast %get3A_35 : vector<1x16xf32> to vector<16xf32>
      %get3A_37 = arith.constant 3 : i64
      %get3A_38 = arith.index_cast %get3A_37 : i64 to index
      %get3A_39 = arith.index_cast %mul3A_22 : i32 to index
      %get3A_40 = tpu.vector_load %arg4[%get3A_38, %get3A_39] {strides = array<i32>} : memref<16x512xf32, #tpu.memory_space<vmem>>, vector<1x16xf32>,
      %get3A_41 = vector.shape_cast %get3A_40 : vector<1x16xf32> to vector<16xf32>
      %get3A_42 = arith.constant 4 : i64
      %get3A_43 = arith.index_cast %get3A_42 : i64 to index
      %get3A_44 = arith.index_cast %mul3A_22 : i32 to index
      %get3A_45 = tpu.vector_load %arg4[%get3A_43, %get3A_44] {strides = array<i32>} : memref<16x512xf32, #tpu.memory_space<vmem>>, vector<1x16xf32>,
      %get3A_46 = vector.shape_cast %get3A_45 : vector<1x16xf32> to vector<16xf32>
      %get3A_47 = arith.constant 5 : i64
      %get3A_48 = arith.index_cast %get3A_47 : i64 to index
      %get3A_49 = arith.index_cast %mul3A_22 : i32 to index
      %get3A_50 = tpu.vector_load %arg4[%get3A_48, %get3A_49] {strides = array<i32>} : memref<16x512xf32, #tpu.memory_space<vmem>>, vector<1x16xf32>,
      %get3A_51 = vector.shape_cast %get3A_50 : vector<1x16xf32> to vector<16xf32>
      %get3A_52 = arith.constant 6 : i64
      %get3A_53 = arith.index_cast %get3A_52 : i64 to index
      %get3A_54 = arith.index_cast %mul3A_22 : i32 to index
      %get3A_55 = tpu.vector_load %arg4[%get3A_53, %get3A_54] {strides = array<i32>} : memref<16x512xf32, #tpu.memory_space<vmem>>, vector<1x16xf32>,
      %get3A_56 = vector.shape_cast %get3A_55 : vector<1x16xf32> to vector<16xf32>
      %get3A_57 = arith.constant 7 : i64
      %get3A_58 = arith.index_cast %get3A_57 : i64 to index
      %get3A_59 = arith.index_cast %mul3A_22 : i32 to index
      %get3A_60 = tpu.vector_load %arg4[%get3A_58, %get3A_59] {strides = array<i32>} : memref<16x512xf32, #tpu.memory_space<vmem>>, vector<1x16xf32>,
      %get3A_61 = vector.shape_cast %get3A_60 : vector<1x16xf32> to vector<16xf32>
      %get3A_62 = arith.constant 8 : i64
      %get3A_63 = arith.index_cast %get3A_62 : i64 to index
      %get3A_64 = arith.index_cast %mul3A_22 : i32 to index
      %get3A_65 = tpu.vector_load %arg4[%get3A_63, %get3A_64] {strides = array<i32>} : memref<16x512xf32, #tpu.memory_space<vmem>>, vector<1x16xf32>,
      %get3A_66 = vector.shape_cast %get3A_65 : vector<1x16xf32> to vector<16xf32>
      %get3A_67 = arith.constant 9 : i64
      %get3A_68 = arith.index_cast %get3A_67 : i64 to index
      %get3A_69 = arith.index_cast %mul3A_22 : i32 to index
      %get3A_70 = tpu.vector_load %arg4[%get3A_68, %get3A_69] {strides = array<i32>} : memref<16x512xf32, #tpu.memory_space<vmem>>, vector<1x16xf32>,
      %get3A_71 = vector.shape_cast %get3A_70 : vector<1x16xf32> to vector<16xf32>
      %get3A_72 = arith.constant 10 : i64
      %get3A_73 = arith.index_cast %get3A_72 : i64 to index
      %get3A_74 = arith.index_cast %mul3A_22 : i32 to index
      %get3A_75 = tpu.vector_load %arg4[%get3A_73, %get3A_74] {strides = array<i32>} : memref<16x512xf32, #tpu.memory_space<vmem>>, vector<1x16xf32>,
      %get3A_76 = vector.shape_cast %get3A_75 : vector<1x16xf32> to vector<16xf32>
      %get3A_77 = arith.constant 11 : i64
      %get3A_78 = arith.index_cast %get3A_77 : i64 to index
      %get3A_79 = arith.index_cast %mul3A_22 : i32 to index
      %get3A_80 = tpu.vector_load %arg4[%get3A_78, %get3A_79] {strides = array<i32>} : memref<16x512xf32, #tpu.memory_space<vmem>>, vector<1x16xf32>,
      %get3A_81 = vector.shape_cast %get3A_80 : vector<1x16xf32> to vector<16xf32>
      %get3A_82 = arith.constant 12 : i64
      %get3A_83 = arith.index_cast %get3A_82 : i64 to index
      %get3A_84 = arith.index_cast %mul3A_22 : i32 to index
      %get3A_85 = tpu.vector_load %arg4[%get3A_83, %get3A_84] {strides = array<i32>} : memref<16x512xf32, #tpu.memory_space<vmem>>, vector<1x16xf32>,
      %get3A_86 = vector.shape_cast %get3A_85 : vector<1x16xf32> to vector<16xf32>
      %get3A_87 = arith.constant 13 : i64
      %get3A_88 = arith.index_cast %get3A_87 : i64 to index
      %get3A_89 = arith.index_cast %mul3A_22 : i32 to index
      %get3A_90 = tpu.vector_load %arg4[%get3A_88, %get3A_89] {strides = array<i32>} : memref<16x512xf32, #tpu.memory_space<vmem>>, vector<1x16xf32>,
      %get3A_91 = vector.shape_cast %get3A_90 : vector<1x16xf32> to vector<16xf32>
      %get3A_92 = arith.constant 14 : i64
      %get3A_93 = arith.index_cast %get3A_92 : i64 to index
      %get3A_94 = arith.index_cast %mul3A_22 : i32 to index
      %get3A_95 = tpu.vector_load %arg4[%get3A_93, %get3A_94] {strides = array<i32>} : memref<16x512xf32, #tpu.memory_space<vmem>>, vector<1x16xf32>,
      %get3A_96 = vector.shape_cast %get3A_95 : vector<1x16xf32> to vector<16xf32>
      %get3A_97 = arith.constant 15 : i64
      %get3A_98 = arith.index_cast %get3A_97 : i64 to index
      %get3A_99 = arith.index_cast %mul3A_22 : i32 to index
      %get3A_100 = tpu.vector_load %arg4[%get3A_98, %get3A_99] {strides = array<i32>} : memref<16x512xf32, #tpu.memory_space<vmem>>, vector<1x16xf32>,
      %get3A_101 = vector.shape_cast %get3A_100 : vector<1x16xf32> to vector<16xf32>
      %min3A = arith.minimumf %get3A_26, %get3A_31 : vector<16xf32>
      %max3A = arith.maximumf %broadcast_in_dim3A_9, %min3A : vector<16xf32>
      %max3A_102 = arith.maximumf %get3A_26, %get3A_31 : vector<16xf32>
      %min3A_103 = arith.minimumf %max3A_102, %get3A_36 : vector<16xf32>
      %max3A_104 = arith.maximumf %max3A, %min3A_103 : vector<16xf32>
      %max3A_105 = arith.maximumf %max3A_102, %get3A_36 : vector<16xf32>
      %min3A_106 = arith.minimumf %max3A_105, %get3A_41 : vector<16xf32>
      %max3A_107 = arith.maximumf %max3A_104, %min3A_106 : vector<16xf32>
      %max3A_108 = arith.maximumf %max3A_105, %get3A_41 : vector<16xf32>
      %min3A_109 = arith.minimumf %max3A_108, %get3A_46 : vector<16xf32>
      %max3A_110 = arith.maximumf %max3A_107, %min3A_109 : vector<16xf32>
      %max3A_111 = arith.maximumf %max3A_108, %get3A_46 : vector<16xf32>
      %min3A_112 = arith.minimumf %max3A_111, %get3A_51 : vector<16xf32>
      %max3A_113 = arith.maximumf %max3A_110, %min3A_112 : vector<16xf32>
      %max3A_114 = arith.maximumf %max3A_111, %get3A_51 : vector<16xf32>
      %min3A_115 = arith.minimumf %max3A_114, %get3A_56 : vector<16xf32>
      %max3A_116 = arith.maximumf %max3A_113, %min3A_115 : vector<16xf32>
      %max3A_117 = arith.maximumf %max3A_114, %get3A_56 : vector<16xf32>
      %min3A_118 = arith.minimumf %max3A_117, %get3A_61 : vector<16xf32>
      %max3A_119 = arith.maximumf %max3A_116, %min3A_118 : vector<16xf32>
      %max3A_120 = arith.maximumf %max3A_117, %get3A_61 : vector<16xf32>
      %min3A_121 = arith.minimumf %max3A_120, %get3A_66 : vector<16xf32>
      %max3A_122 = arith.maximumf %max3A_119, %min3A_121 : vector<16xf32>
      %max3A_123 = arith.maximumf %max3A_120, %get3A_66 : vector<16xf32>
      %min3A_124 = arith.minimumf %max3A_123, %get3A_71 : vector<16xf32>
      %max3A_125 = arith.maximumf %max3A_122, %min3A_124 : vector<16xf32>
      %max3A_126 = arith.maximumf %max3A_123, %get3A_71 : vector<16xf32>
      %min3A_127 = arith.minimumf %max3A_126, %get3A_76 : vector<16xf32>
      %max3A_128 = arith.maximumf %max3A_125, %min3A_127 : vector<16xf32>
      %max3A_129 = arith.maximumf %max3A_126, %get3A_76 : vector<16xf32>
      %min3A_130 = arith.minimumf %max3A_129, %get3A_81 : vector<16xf32>
      %max3A_131 = arith.maximumf %max3A_128, %min3A_130 : vector<16xf32>
      %max3A_132 = arith.maximumf %max3A_129, %get3A_81 : vector<16xf32>
      %min3A_133 = arith.minimumf %max3A_132, %get3A_86 : vector<16xf32>
      %max3A_134 = arith.maximumf %max3A_131, %min3A_133 : vector<16xf32>
      %max3A_135 = arith.maximumf %max3A_132, %get3A_86 : vector<16xf32>
      %min3A_136 = arith.minimumf %max3A_135, %get3A_91 : vector<16xf32>
      %max3A_137 = arith.maximumf %max3A_134, %min3A_136 : vector<16xf32>
      %max3A_138 = arith.maximumf %max3A_135, %get3A_91 : vector<16xf32>
      %min3A_139 = arith.minimumf %max3A_138, %get3A_96 : vector<16xf32>
      %max3A_140 = arith.maximumf %max3A_137, %min3A_139 : vector<16xf32>
      %max3A_141 = arith.maximumf %max3A_138, %get3A_96 : vector<16xf32>
      %min3A_142 = arith.minimumf %max3A_141, %get3A_101 : vector<16xf32>
      %max3A_143 = arith.maximumf %max3A_140, %min3A_142 : vector<16xf32>
      %max3A_144 = arith.maximumf %max3A_141, %get3A_101 : vector<16xf32>
      %gt3A = arith.cmpf ogt, %max3A_144, %max3A_143 : vector<16xf32>
      %select_n3A = arith.select %gt3A, %broadcast_in_dim3A_3, %broadcast_in_dim3A_7 : vector<16xi1>, vector<16xi32>
      %eq3A = arith.cmpf oeq, %get3A_26, %max3A_143 : vector<16xf32>
      %select_n3A_145 = arith.select %eq3A, %broadcast_in_dim3A_3, %broadcast_in_dim3A_5 : vector<16xi1>, vector<16xi32>
      %gt3A_146 = arith.cmpf ogt, %get3A_26, %max3A_143 : vector<16xf32>
      %select_n3A_147 = arith.select %gt3A_146, %broadcast_in_dim3A_3, %broadcast_in_dim3A_5 : vector<16xi1>, vector<16xi32>
      %lt3A = arith.cmpi slt, %broadcast_in_dim3A_5, %select_n3A : vector<16xi32>
      %select_n3A_148 = arith.select %lt3A, %broadcast_in_dim3A_3, %broadcast_in_dim3A_5 : vector<16xi1>, vector<16xi32>
      %and3A = arith.andi %select_n3A_145, %select_n3A_148 : vector<16xi32>
      %or3A = arith.ori %select_n3A_147, %and3A : vector<16xi32>
      %swap3A = arith.constant 0 : i64
      %swap3A_149 = arith.index_cast %swap3A : i64 to index
      %swap3A_150 = arith.index_cast %mul3A_22 : i32 to index
      %swap3A_151 = tpu.vector_load %arg5[%swap3A_149, %swap3A_150] {strides = array<i32>} : memref<16x512xi32, #tpu.memory_space<vmem>>, vector<1x16xi32>,
      %swap3A_152 = vector.shape_cast %swap3A_151 : vector<1x16xi32> to vector<16xi32>
      %swap3A_153 = vector.shape_cast %or3A : vector<16xi32> to vector<1x16xi32>
      tpu.vector_store %arg5[%swap3A_149, %swap3A_150], %swap3A_153 {strides = array<i32>} : memref<16x512xi32, #tpu.memory_space<vmem>>, vector<1x16xi32>,
      %add3A_154 = arith.addi %broadcast_in_dim3A_5, %select_n3A_145 : vector<16xi32>
      %eq3A_155 = arith.cmpf oeq, %get3A_31, %max3A_143 : vector<16xf32>
      %select_n3A_156 = arith.select %eq3A_155, %broadcast_in_dim3A_3, %broadcast_in_dim3A_5 : vector<16xi1>, vector<16xi32>
      %gt3A_157 = arith.cmpf ogt, %get3A_31, %max3A_143 : vector<16xf32>
      %select_n3A_158 = arith.select %gt3A_157, %broadcast_in_dim3A_3, %broadcast_in_dim3A_5 : vector<16xi1>, vector<16xi32>
      %lt3A_159 = arith.cmpi slt, %add3A_154, %select_n3A : vector<16xi32>
      %select_n3A_160 = arith.select %lt3A_159, %broadcast_in_dim3A_3, %broadcast_in_dim3A_5 : vector<16xi1>, vector<16xi32>
      %and3A_161 = arith.andi %select_n3A_156, %select_n3A_160 : vector<16xi32>
      %or3A_162 = arith.ori %select_n3A_158, %and3A_161 : vector<16xi32>
      %swap3A_163 = arith.constant 1 : i64
      %swap3A_164 = arith.index_cast %swap3A_163 : i64 to index
      %swap3A_165 = arith.index_cast %mul3A_22 : i32 to index
      %swap3A_166 = tpu.vector_load %arg5[%swap3A_164, %swap3A_165] {strides = array<i32>} : memref<16x512xi32, #tpu.memory_space<vmem>>, vector<1x16xi32>,
      %swap3A_167 = vector.shape_cast %swap3A_166 : vector<1x16xi32> to vector<16xi32>
      %swap3A_168 = vector.shape_cast %or3A_162 : vector<16xi32> to vector<1x16xi32>
      tpu.vector_store %arg5[%swap3A_164, %swap3A_165], %swap3A_168 {strides = array<i32>} : memref<16x512xi32, #tpu.memory_space<vmem>>, vector<1x16xi32>,
      %add3A_169 = arith.addi %add3A_154, %select_n3A_156 : vector<16xi32>
      %eq3A_170 = arith.cmpf oeq, %get3A_36, %max3A_143 : vector<16xf32>
      %select_n3A_171 = arith.select %eq3A_170, %broadcast_in_dim3A_3, %broadcast_in_dim3A_5 : vector<16xi1>, vector<16xi32>
      %gt3A_172 = arith.cmpf ogt, %get3A_36, %max3A_143 : vector<16xf32>
      %select_n3A_173 = arith.select %gt3A_172, %broadcast_in_dim3A_3, %broadcast_in_dim3A_5 : vector<16xi1>, vector<16xi32>
      %lt3A_174 = arith.cmpi slt, %add3A_169, %select_n3A : vector<16xi32>
      %select_n3A_175 = arith.select %lt3A_174, %broadcast_in_dim3A_3, %broadcast_in_dim3A_5 : vector<16xi1>, vector<16xi32>
      %and3A_176 = arith.andi %select_n3A_171, %select_n3A_175 : vector<16xi32>
      %or3A_177 = arith.ori %select_n3A_173, %and3A_176 : vector<16xi32>
      %swap3A_178 = arith.constant 2 : i64
      %swap3A_179 = arith.index_cast %swap3A_178 : i64 to index
      %swap3A_180 = arith.index_cast %mul3A_22 : i32 to index
      %swap3A_181 = tpu.vector_load %arg5[%swap3A_179, %swap3A_180] {strides = array<i32>} : memref<16x512xi32, #tpu.memory_space<vmem>>, vector<1x16xi32>,
      %swap3A_182 = vector.shape_cast %swap3A_181 : vector<1x16xi32> to vector<16xi32>
      %swap3A_183 = vector.shape_cast %or3A_177 : vector<16xi32> to vector<1x16xi32>
      tpu.vector_store %arg5[%swap3A_179, %swap3A_180], %swap3A_183 {strides = array<i32>} : memref<16x512xi32, #tpu.memory_space<vmem>>, vector<1x16xi32>,
      %add3A_184 = arith.addi %add3A_169, %select_n3A_171 : vector<16xi32>
      %eq3A_185 = arith.cmpf oeq, %get3A_41, %max3A_143 : vector<16xf32>
      %select_n3A_186 = arith.select %eq3A_185, %broadcast_in_dim3A_3, %broadcast_in_dim3A_5 : vector<16xi1>, vector<16xi32>
      %gt3A_187 = arith.cmpf ogt, %get3A_41, %max3A_143 : vector<16xf32>
      %select_n3A_188 = arith.select %gt3A_187, %broadcast_in_dim3A_3, %broadcast_in_dim3A_5 : vector<16xi1>, vector<16xi32>
      %lt3A_189 = arith.cmpi slt, %add3A_184, %select_n3A : vector<16xi32>
      %select_n3A_190 = arith.select %lt3A_189, %broadcast_in_dim3A_3, %broadcast_in_dim3A_5 : vector<16xi1>, vector<16xi32>
      %and3A_191 = arith.andi %select_n3A_186, %select_n3A_190 : vector<16xi32>
      %or3A_192 = arith.ori %select_n3A_188, %and3A_191 : vector<16xi32>
      %swap3A_193 = arith.constant 3 : i64
      %swap3A_194 = arith.index_cast %swap3A_193 : i64 to index
      %swap3A_195 = arith.index_cast %mul3A_22 : i32 to index
      %swap3A_196 = tpu.vector_load %arg5[%swap3A_194, %swap3A_195] {strides = array<i32>} : memref<16x512xi32, #tpu.memory_space<vmem>>, vector<1x16xi32>,
      %swap3A_197 = vector.shape_cast %swap3A_196 : vector<1x16xi32> to vector<16xi32>
      %swap3A_198 = vector.shape_cast %or3A_192 : vector<16xi32> to vector<1x16xi32>
      tpu.vector_store %arg5[%swap3A_194, %swap3A_195], %swap3A_198 {strides = array<i32>} : memref<16x512xi32, #tpu.memory_space<vmem>>, vector<1x16xi32>,
      %add3A_199 = arith.addi %add3A_184, %select_n3A_186 : vector<16xi32>
      %eq3A_200 = arith.cmpf oeq, %get3A_46, %max3A_143 : vector<16xf32>
      %select_n3A_201 = arith.select %eq3A_200, %broadcast_in_dim3A_3, %broadcast_in_dim3A_5 : vector<16xi1>, vector<16xi32>
      %gt3A_202 = arith.cmpf ogt, %get3A_46, %max3A_143 : vector<16xf32>
      %select_n3A_203 = arith.select %gt3A_202, %broadcast_in_dim3A_3, %broadcast_in_dim3A_5 : vector<16xi1>, vector<16xi32>
      %lt3A_204 = arith.cmpi slt, %add3A_199, %select_n3A : vector<16xi32>
      %select_n3A_205 = arith.select %lt3A_204, %broadcast_in_dim3A_3, %broadcast_in_dim3A_5 : vector<16xi1>, vector<16xi32>
      %and3A_206 = arith.andi %select_n3A_201, %select_n3A_205 : vector<16xi32>
      %or3A_207 = arith.ori %select_n3A_203, %and3A_206 : vector<16xi32>
      %swap3A_208 = arith.constant 4 : i64
      %swap3A_209 = arith.index_cast %swap3A_208 : i64 to index
      %swap3A_210 = arith.index_cast %mul3A_22 : i32 to index
      %swap3A_211 = tpu.vector_load %arg5[%swap3A_209, %swap3A_210] {strides = array<i32>} : memref<16x512xi32, #tpu.memory_space<vmem>>, vector<1x16xi32>,
      %swap3A_212 = vector.shape_cast %swap3A_211 : vector<1x16xi32> to vector<16xi32>
      %swap3A_213 = vector.shape_cast %or3A_207 : vector<16xi32> to vector<1x16xi32>
      tpu.vector_store %arg5[%swap3A_209, %swap3A_210], %swap3A_213 {strides = array<i32>} : memref<16x512xi32, #tpu.memory_space<vmem>>, vector<1x16xi32>,
      %add3A_214 = arith.addi %add3A_199, %select_n3A_201 : vector<16xi32>
      %eq3A_215 = arith.cmpf oeq, %get3A_51, %max3A_143 : vector<16xf32>
      %select_n3A_216 = arith.select %eq3A_215, %broadcast_in_dim3A_3, %broadcast_in_dim3A_5 : vector<16xi1>, vector<16xi32>
      %gt3A_217 = arith.cmpf ogt, %get3A_51, %max3A_143 : vector<16xf32>
      %select_n3A_218 = arith.select %gt3A_217, %broadcast_in_dim3A_3, %broadcast_in_dim3A_5 : vector<16xi1>, vector<16xi32>
      %lt3A_219 = arith.cmpi slt, %add3A_214, %select_n3A : vector<16xi32>
      %select_n3A_220 = arith.select %lt3A_219, %broadcast_in_dim3A_3, %broadcast_in_dim3A_5 : vector<16xi1>, vector<16xi32>
      %and3A_221 = arith.andi %select_n3A_216, %select_n3A_220 : vector<16xi32>
      %or3A_222 = arith.ori %select_n3A_218, %and3A_221 : vector<16xi32>
      %swap3A_223 = arith.constant 5 : i64
      %swap3A_224 = arith.index_cast %swap3A_223 : i64 to index
      %swap3A_225 = arith.index_cast %mul3A_22 : i32 to index
      %swap3A_226 = tpu.vector_load %arg5[%swap3A_224, %swap3A_225] {strides = array<i32>} : memref<16x512xi32, #tpu.memory_space<vmem>>, vector<1x16xi32>,
      %swap3A_227 = vector.shape_cast %swap3A_226 : vector<1x16xi32> to vector<16xi32>
      %swap3A_228 = vector.shape_cast %or3A_222 : vector<16xi32> to vector<1x16xi32>
      tpu.vector_store %arg5[%swap3A_224, %swap3A_225], %swap3A_228 {strides = array<i32>} : memref<16x512xi32, #tpu.memory_space<vmem>>, vector<1x16xi32>,
      %add3A_229 = arith.addi %add3A_214, %select_n3A_216 : vector<16xi32>
      %eq3A_230 = arith.cmpf oeq, %get3A_56, %max3A_143 : vector<16xf32>
      %select_n3A_231 = arith.select %eq3A_230, %broadcast_in_dim3A_3, %broadcast_in_dim3A_5 : vector<16xi1>, vector<16xi32>
      %gt3A_232 = arith.cmpf ogt, %get3A_56, %max3A_143 : vector<16xf32>
      %select_n3A_233 = arith.select %gt3A_232, %broadcast_in_dim3A_3, %broadcast_in_dim3A_5 : vector<16xi1>, vector<16xi32>
      %lt3A_234 = arith.cmpi slt, %add3A_229, %select_n3A : vector<16xi32>
      %select_n3A_235 = arith.select %lt3A_234, %broadcast_in_dim3A_3, %broadcast_in_dim3A_5 : vector<16xi1>, vector<16xi32>
      %and3A_236 = arith.andi %select_n3A_231, %select_n3A_235 : vector<16xi32>
      %or3A_237 = arith.ori %select_n3A_233, %and3A_236 : vector<16xi32>
      %swap3A_238 = arith.constant 6 : i64
      %swap3A_239 = arith.index_cast %swap3A_238 : i64 to index
      %swap3A_240 = arith.index_cast %mul3A_22 : i32 to index
      %swap3A_241 = tpu.vector_load %arg5[%swap3A_239, %swap3A_240] {strides = array<i32>} : memref<16x512xi32, #tpu.memory_space<vmem>>, vector<1x16xi32>,
      %swap3A_242 = vector.shape_cast %swap3A_241 : vector<1x16xi32> to vector<16xi32>
      %swap3A_243 = vector.shape_cast %or3A_237 : vector<16xi32> to vector<1x16xi32>
      tpu.vector_store %arg5[%swap3A_239, %swap3A_240], %swap3A_243 {strides = array<i32>} : memref<16x512xi32, #tpu.memory_space<vmem>>, vector<1x16xi32>,
      %add3A_244 = arith.addi %add3A_229, %select_n3A_231 : vector<16xi32>
      %eq3A_245 = arith.cmpf oeq, %get3A_61, %max3A_143 : vector<16xf32>
      %select_n3A_246 = arith.select %eq3A_245, %broadcast_in_dim3A_3, %broadcast_in_dim3A_5 : vector<16xi1>, vector<16xi32>
      %gt3A_247 = arith.cmpf ogt, %get3A_61, %max3A_143 : vector<16xf32>
      %select_n3A_248 = arith.select %gt3A_247, %broadcast_in_dim3A_3, %broadcast_in_dim3A_5 : vector<16xi1>, vector<16xi32>
      %lt3A_249 = arith.cmpi slt, %add3A_244, %select_n3A : vector<16xi32>
      %select_n3A_250 = arith.select %lt3A_249, %broadcast_in_dim3A_3, %broadcast_in_dim3A_5 : vector<16xi1>, vector<16xi32>
      %and3A_251 = arith.andi %select_n3A_246, %select_n3A_250 : vector<16xi32>
      %or3A_252 = arith.ori %select_n3A_248, %and3A_251 : vector<16xi32>
      %swap3A_253 = arith.constant 7 : i64
      %swap3A_254 = arith.index_cast %swap3A_253 : i64 to index
      %swap3A_255 = arith.index_cast %mul3A_22 : i32 to index
      %swap3A_256 = tpu.vector_load %arg5[%swap3A_254, %swap3A_255] {strides = array<i32>} : memref<16x512xi32, #tpu.memory_space<vmem>>, vector<1x16xi32>,
      %swap3A_257 = vector.shape_cast %swap3A_256 : vector<1x16xi32> to vector<16xi32>
      %swap3A_258 = vector.shape_cast %or3A_252 : vector<16xi32> to vector<1x16xi32>
      tpu.vector_store %arg5[%swap3A_254, %swap3A_255], %swap3A_258 {strides = array<i32>} : memref<16x512xi32, #tpu.memory_space<vmem>>, vector<1x16xi32>,
      %add3A_259 = arith.addi %add3A_244, %select_n3A_246 : vector<16xi32>
      %eq3A_260 = arith.cmpf oeq, %get3A_66, %max3A_143 : vector<16xf32>
      %select_n3A_261 = arith.select %eq3A_260, %broadcast_in_dim3A_3, %broadcast_in_dim3A_5 : vector<16xi1>, vector<16xi32>
      %gt3A_262 = arith.cmpf ogt, %get3A_66, %max3A_143 : vector<16xf32>
      %select_n3A_263 = arith.select %gt3A_262, %broadcast_in_dim3A_3, %broadcast_in_dim3A_5 : vector<16xi1>, vector<16xi32>
      %lt3A_264 = arith.cmpi slt, %add3A_259, %select_n3A : vector<16xi32>
      %select_n3A_265 = arith.select %lt3A_264, %broadcast_in_dim3A_3, %broadcast_in_dim3A_5 : vector<16xi1>, vector<16xi32>
      %and3A_266 = arith.andi %select_n3A_261, %select_n3A_265 : vector<16xi32>
      %or3A_267 = arith.ori %select_n3A_263, %and3A_266 : vector<16xi32>
      %swap3A_268 = arith.constant 8 : i64
      %swap3A_269 = arith.index_cast %swap3A_268 : i64 to index
      %swap3A_270 = arith.index_cast %mul3A_22 : i32 to index
      %swap3A_271 = tpu.vector_load %arg5[%swap3A_269, %swap3A_270] {strides = array<i32>} : memref<16x512xi32, #tpu.memory_space<vmem>>, vector<1x16xi32>,
      %swap3A_272 = vector.shape_cast %swap3A_271 : vector<1x16xi32> to vector<16xi32>
      %swap3A_273 = vector.shape_cast %or3A_267 : vector<16xi32> to vector<1x16xi32>
      tpu.vector_store %arg5[%swap3A_269, %swap3A_270], %swap3A_273 {strides = array<i32>} : memref<16x512xi32, #tpu.memory_space<vmem>>, vector<1x16xi32>,
      %add3A_274 = arith.addi %add3A_259, %select_n3A_261 : vector<16xi32>
      %eq3A_275 = arith.cmpf oeq, %get3A_71, %max3A_143 : vector<16xf32>
      %select_n3A_276 = arith.select %eq3A_275, %broadcast_in_dim3A_3, %broadcast_in_dim3A_5 : vector<16xi1>, vector<16xi32>
      %gt3A_277 = arith.cmpf ogt, %get3A_71, %max3A_143 : vector<16xf32>
      %select_n3A_278 = arith.select %gt3A_277, %broadcast_in_dim3A_3, %broadcast_in_dim3A_5 : vector<16xi1>, vector<16xi32>
      %lt3A_279 = arith.cmpi slt, %add3A_274, %select_n3A : vector<16xi32>
      %select_n3A_280 = arith.select %lt3A_279, %broadcast_in_dim3A_3, %broadcast_in_dim3A_5 : vector<16xi1>, vector<16xi32>
      %and3A_281 = arith.andi %select_n3A_276, %select_n3A_280 : vector<16xi32>
      %or3A_282 = arith.ori %select_n3A_278, %and3A_281 : vector<16xi32>
      %swap3A_283 = arith.constant 9 : i64
      %swap3A_284 = arith.index_cast %swap3A_283 : i64 to index
      %swap3A_285 = arith.index_cast %mul3A_22 : i32 to index
      %swap3A_286 = tpu.vector_load %arg5[%swap3A_284, %swap3A_285] {strides = array<i32>} : memref<16x512xi32, #tpu.memory_space<vmem>>, vector<1x16xi32>,
      %swap3A_287 = vector.shape_cast %swap3A_286 : vector<1x16xi32> to vector<16xi32>
      %swap3A_288 = vector.shape_cast %or3A_282 : vector<16xi32> to vector<1x16xi32>
      tpu.vector_store %arg5[%swap3A_284, %swap3A_285], %swap3A_288 {strides = array<i32>} : memref<16x512xi32, #tpu.memory_space<vmem>>, vector<1x16xi32>,
      %add3A_289 = arith.addi %add3A_274, %select_n3A_276 : vector<16xi32>
      %eq3A_290 = arith.cmpf oeq, %get3A_76, %max3A_143 : vector<16xf32>
      %select_n3A_291 = arith.select %eq3A_290, %broadcast_in_dim3A_3, %broadcast_in_dim3A_5 : vector<16xi1>, vector<16xi32>
      %gt3A_292 = arith.cmpf ogt, %get3A_76, %max3A_143 : vector<16xf32>
      %select_n3A_293 = arith.select %gt3A_292, %broadcast_in_dim3A_3, %broadcast_in_dim3A_5 : vector<16xi1>, vector<16xi32>
      %lt3A_294 = arith.cmpi slt, %add3A_289, %select_n3A : vector<16xi32>
      %select_n3A_295 = arith.select %lt3A_294, %broadcast_in_dim3A_3, %broadcast_in_dim3A_5 : vector<16xi1>, vector<16xi32>
      %and3A_296 = arith.andi %select_n3A_291, %select_n3A_295 : vector<16xi32>
      %or3A_297 = arith.ori %select_n3A_293, %and3A_296 : vector<16xi32>
      %swap3A_298 = arith.constant 10 : i64
      %swap3A_299 = arith.index_cast %swap3A_298 : i64 to index
      %swap3A_300 = arith.index_cast %mul3A_22 : i32 to index
      %swap3A_301 = tpu.vector_load %arg5[%swap3A_299, %swap3A_300] {strides = array<i32>} : memref<16x512xi32, #tpu.memory_space<vmem>>, vector<1x16xi32>,
      %swap3A_302 = vector.shape_cast %swap3A_301 : vector<1x16xi32> to vector<16xi32>
      %swap3A_303 = vector.shape_cast %or3A_297 : vector<16xi32> to vector<1x16xi32>
      tpu.vector_store %arg5[%swap3A_299, %swap3A_300], %swap3A_303 {strides = array<i32>} : memref<16x512xi32, #tpu.memory_space<vmem>>, vector<1x16xi32>,
      %add3A_304 = arith.addi %add3A_289, %select_n3A_291 : vector<16xi32>
      %eq3A_305 = arith.cmpf oeq, %get3A_81, %max3A_143 : vector<16xf32>
      %select_n3A_306 = arith.select %eq3A_305, %broadcast_in_dim3A_3, %broadcast_in_dim3A_5 : vector<16xi1>, vector<16xi32>
      %gt3A_307 = arith.cmpf ogt, %get3A_81, %max3A_143 : vector<16xf32>
      %select_n3A_308 = arith.select %gt3A_307, %broadcast_in_dim3A_3, %broadcast_in_dim3A_5 : vector<16xi1>, vector<16xi32>
      %lt3A_309 = arith.cmpi slt, %add3A_304, %select_n3A : vector<16xi32>
      %select_n3A_310 = arith.select %lt3A_309, %broadcast_in_dim3A_3, %broadcast_in_dim3A_5 : vector<16xi1>, vector<16xi32>
      %and3A_311 = arith.andi %select_n3A_306, %select_n3A_310 : vector<16xi32>
      %or3A_312 = arith.ori %select_n3A_308, %and3A_311 : vector<16xi32>
      %swap3A_313 = arith.constant 11 : i64
      %swap3A_314 = arith.index_cast %swap3A_313 : i64 to index
      %swap3A_315 = arith.index_cast %mul3A_22 : i32 to index
      %swap3A_316 = tpu.vector_load %arg5[%swap3A_314, %swap3A_315] {strides = array<i32>} : memref<16x512xi32, #tpu.memory_space<vmem>>, vector<1x16xi32>,
      %swap3A_317 = vector.shape_cast %swap3A_316 : vector<1x16xi32> to vector<16xi32>
      %swap3A_318 = vector.shape_cast %or3A_312 : vector<16xi32> to vector<1x16xi32>
      tpu.vector_store %arg5[%swap3A_314, %swap3A_315], %swap3A_318 {strides = array<i32>} : memref<16x512xi32, #tpu.memory_space<vmem>>, vector<1x16xi32>,
      %add3A_319 = arith.addi %add3A_304, %select_n3A_306 : vector<16xi32>
      %eq3A_320 = arith.cmpf oeq, %get3A_86, %max3A_143 : vector<16xf32>
      %select_n3A_321 = arith.select %eq3A_320, %broadcast_in_dim3A_3, %broadcast_in_dim3A_5 : vector<16xi1>, vector<16xi32>
      %gt3A_322 = arith.cmpf ogt, %get3A_86, %max3A_143 : vector<16xf32>
      %select_n3A_323 = arith.select %gt3A_322, %broadcast_in_dim3A_3, %broadcast_in_dim3A_5 : vector<16xi1>, vector<16xi32>
      %lt3A_324 = arith.cmpi slt, %add3A_319, %select_n3A : vector<16xi32>
      %select_n3A_325 = arith.select %lt3A_324, %broadcast_in_dim3A_3, %broadcast_in_dim3A_5 : vector<16xi1>, vector<16xi32>
      %and3A_326 = arith.andi %select_n3A_321, %select_n3A_325 : vector<16xi32>
      %or3A_327 = arith.ori %select_n3A_323, %and3A_326 : vector<16xi32>
      %swap3A_328 = arith.constant 12 : i64
      %swap3A_329 = arith.index_cast %swap3A_328 : i64 to index
      %swap3A_330 = arith.index_cast %mul3A_22 : i32 to index
      %swap3A_331 = tpu.vector_load %arg5[%swap3A_329, %swap3A_330] {strides = array<i32>} : memref<16x512xi32, #tpu.memory_space<vmem>>, vector<1x16xi32>,
      %swap3A_332 = vector.shape_cast %swap3A_331 : vector<1x16xi32> to vector<16xi32>
      %swap3A_333 = vector.shape_cast %or3A_327 : vector<16xi32> to vector<1x16xi32>
      tpu.vector_store %arg5[%swap3A_329, %swap3A_330], %swap3A_333 {strides = array<i32>} : memref<16x512xi32, #tpu.memory_space<vmem>>, vector<1x16xi32>,
      %add3A_334 = arith.addi %add3A_319, %select_n3A_321 : vector<16xi32>
      %eq3A_335 = arith.cmpf oeq, %get3A_91, %max3A_143 : vector<16xf32>
      %select_n3A_336 = arith.select %eq3A_335, %broadcast_in_dim3A_3, %broadcast_in_dim3A_5 : vector<16xi1>, vector<16xi32>
      %gt3A_337 = arith.cmpf ogt, %get3A_91, %max3A_143 : vector<16xf32>
      %select_n3A_338 = arith.select %gt3A_337, %broadcast_in_dim3A_3, %broadcast_in_dim3A_5 : vector<16xi1>, vector<16xi32>
      %lt3A_339 = arith.cmpi slt, %add3A_334, %select_n3A : vector<16xi32>
      %select_n3A_340 = arith.select %lt3A_339, %broadcast_in_dim3A_3, %broadcast_in_dim3A_5 : vector<16xi1>, vector<16xi32>
      %and3A_341 = arith.andi %select_n3A_336, %select_n3A_340 : vector<16xi32>
      %or3A_342 = arith.ori %select_n3A_338, %and3A_341 : vector<16xi32>
      %swap3A_343 = arith.constant 13 : i64
      %swap3A_344 = arith.index_cast %swap3A_343 : i64 to index
      %swap3A_345 = arith.index_cast %mul3A_22 : i32 to index
      %swap3A_346 = tpu.vector_load %arg5[%swap3A_344, %swap3A_345] {strides = array<i32>} : memref<16x512xi32, #tpu.memory_space<vmem>>, vector<1x16xi32>,
      %swap3A_347 = vector.shape_cast %swap3A_346 : vector<1x16xi32> to vector<16xi32>
      %swap3A_348 = vector.shape_cast %or3A_342 : vector<16xi32> to vector<1x16xi32>
      tpu.vector_store %arg5[%swap3A_344, %swap3A_345], %swap3A_348 {strides = array<i32>} : memref<16x512xi32, #tpu.memory_space<vmem>>, vector<1x16xi32>,
      %add3A_349 = arith.addi %add3A_334, %select_n3A_336 : vector<16xi32>
      %eq3A_350 = arith.cmpf oeq, %get3A_96, %max3A_143 : vector<16xf32>
      %select_n3A_351 = arith.select %eq3A_350, %broadcast_in_dim3A_3, %broadcast_in_dim3A_5 : vector<16xi1>, vector<16xi32>
      %gt3A_352 = arith.cmpf ogt, %get3A_96, %max3A_143 : vector<16xf32>
      %select_n3A_353 = arith.select %gt3A_352, %broadcast_in_dim3A_3, %broadcast_in_dim3A_5 : vector<16xi1>, vector<16xi32>
      %lt3A_354 = arith.cmpi slt, %add3A_349, %select_n3A : vector<16xi32>
      %select_n3A_355 = arith.select %lt3A_354, %broadcast_in_dim3A_3, %broadcast_in_dim3A_5 : vector<16xi1>, vector<16xi32>
      %and3A_356 = arith.andi %select_n3A_351, %select_n3A_355 : vector<16xi32>
      %or3A_357 = arith.ori %select_n3A_353, %and3A_356 : vector<16xi32>
      %swap3A_358 = arith.constant 14 : i64
      %swap3A_359 = arith.index_cast %swap3A_358 : i64 to index
      %swap3A_360 = arith.index_cast %mul3A_22 : i32 to index
      %swap3A_361 = tpu.vector_load %arg5[%swap3A_359, %swap3A_360] {strides = array<i32>} : memref<16x512xi32, #tpu.memory_space<vmem>>, vector<1x16xi32>,
      %swap3A_362 = vector.shape_cast %swap3A_361 : vector<1x16xi32> to vector<16xi32>
      %swap3A_363 = vector.shape_cast %or3A_357 : vector<16xi32> to vector<1x16xi32>
      tpu.vector_store %arg5[%swap3A_359, %swap3A_360], %swap3A_363 {strides = array<i32>} : memref<16x512xi32, #tpu.memory_space<vmem>>, vector<1x16xi32>,
      %add3A_364 = arith.addi %add3A_349, %select_n3A_351 : vector<16xi32>
      %eq3A_365 = arith.cmpf oeq, %get3A_101, %max3A_143 : vector<16xf32>
      %select_n3A_366 = arith.select %eq3A_365, %broadcast_in_dim3A_3, %broadcast_in_dim3A_5 : vector<16xi1>, vector<16xi32>
      %gt3A_367 = arith.cmpf ogt, %get3A_101, %max3A_143 : vector<16xf32>
      %select_n3A_368 = arith.select %gt3A_367, %broadcast_in_dim3A_3, %broadcast_in_dim3A_5 : vector<16xi1>, vector<16xi32>
      %lt3A_369 = arith.cmpi slt, %add3A_364, %select_n3A : vector<16xi32>
      %select_n3A_370 = arith.select %lt3A_369, %broadcast_in_dim3A_3, %broadcast_in_dim3A_5 : vector<16xi1>, vector<16xi32>
      %and3A_371 = arith.andi %select_n3A_366, %select_n3A_370 : vector<16xi32>
      %or3A_372 = arith.ori %select_n3A_368, %and3A_371 : vector<16xi32>
      %swap3A_373 = arith.constant 15 : i64
      %swap3A_374 = arith.index_cast %swap3A_373 : i64 to index
      %swap3A_375 = arith.index_cast %mul3A_22 : i32 to index
      %swap3A_376 = tpu.vector_load %arg5[%swap3A_374, %swap3A_375] {strides = array<i32>} : memref<16x512xi32, #tpu.memory_space<vmem>>, vector<1x16xi32>,
      %swap3A_377 = vector.shape_cast %swap3A_376 : vector<1x16xi32> to vector<16xi32>
      %swap3A_378 = vector.shape_cast %or3A_372 : vector<16xi32> to vector<1x16xi32>
      tpu.vector_store %arg5[%swap3A_374, %swap3A_375], %swap3A_378 {strides = array<i32>} : memref<16x512xi32, #tpu.memory_space<vmem>>, vector<1x16xi32>,
      %add3A_379 = arith.addi %add3A_364, %select_n3A_366 : vector<16xi32>
      %mul3A_380 = arith.constant 32 : i32
      %mul3A_381 = arith.muli %while3A_20, %mul3A_380 : i32
      %add3A_382 = arith.constant 16 : i32
      %add3A_383 = arith.addi %mul3A_381, %add3A_382 : i32
      %get3A_384 = arith.constant 0 : i64
      %get3A_385 = arith.index_cast %get3A_384 : i64 to index
      %get3A_386 = arith.index_cast %add3A_383 : i32 to index
      %get3A_387 = tpu.vector_load %arg4[%get3A_385, %get3A_386] {strides = array<i32>} : memref<16x512xf32, #tpu.memory_space<vmem>>, vector<1x16xf32>,
      %get3A_388 = vector.shape_cast %get3A_387 : vector<1x16xf32> to vector<16xf32>
      %get3A_389 = arith.constant 1 : i64
      %get3A_390 = arith.index_cast %get3A_389 : i64 to index
      %get3A_391 = arith.index_cast %add3A_383 : i32 to index
      %get3A_392 = tpu.vector_load %arg4[%get3A_390, %get3A_391] {strides = array<i32>} : memref<16x512xf32, #tpu.memory_space<vmem>>, vector<1x16xf32>,
      %get3A_393 = vector.shape_cast %get3A_392 : vector<1x16xf32> to vector<16xf32>
      %get3A_394 = arith.constant 2 : i64
      %get3A_395 = arith.index_cast %get3A_394 : i64 to index
      %get3A_396 = arith.index_cast %add3A_383 : i32 to index
      %get3A_397 = tpu.vector_load %arg4[%get3A_395, %get3A_396] {strides = array<i32>} : memref<16x512xf32, #tpu.memory_space<vmem>>, vector<1x16xf32>,
      %get3A_398 = vector.shape_cast %get3A_397 : vector<1x16xf32> to vector<16xf32>
      %get3A_399 = arith.constant 3 : i64
      %get3A_400 = arith.index_cast %get3A_399 : i64 to index
      %get3A_401 = arith.index_cast %add3A_383 : i32 to index
      %get3A_402 = tpu.vector_load %arg4[%get3A_400, %get3A_401] {strides = array<i32>} : memref<16x512xf32, #tpu.memory_space<vmem>>, vector<1x16xf32>,
      %get3A_403 = vector.shape_cast %get3A_402 : vector<1x16xf32> to vector<16xf32>
      %get3A_404 = arith.constant 4 : i64
      %get3A_405 = arith.index_cast %get3A_404 : i64 to index
      %get3A_406 = arith.index_cast %add3A_383 : i32 to index
      %get3A_407 = tpu.vector_load %arg4[%get3A_405, %get3A_406] {strides = array<i32>} : memref<16x512xf32, #tpu.memory_space<vmem>>, vector<1x16xf32>,
      %get3A_408 = vector.shape_cast %get3A_407 : vector<1x16xf32> to vector<16xf32>
      %get3A_409 = arith.constant 5 : i64
      %get3A_410 = arith.index_cast %get3A_409 : i64 to index
      %get3A_411 = arith.index_cast %add3A_383 : i32 to index
      %get3A_412 = tpu.vector_load %arg4[%get3A_410, %get3A_411] {strides = array<i32>} : memref<16x512xf32, #tpu.memory_space<vmem>>, vector<1x16xf32>,
      %get3A_413 = vector.shape_cast %get3A_412 : vector<1x16xf32> to vector<16xf32>
      %get3A_414 = arith.constant 6 : i64
      %get3A_415 = arith.index_cast %get3A_414 : i64 to index
      %get3A_416 = arith.index_cast %add3A_383 : i32 to index
      %get3A_417 = tpu.vector_load %arg4[%get3A_415, %get3A_416] {strides = array<i32>} : memref<16x512xf32, #tpu.memory_space<vmem>>, vector<1x16xf32>,
      %get3A_418 = vector.shape_cast %get3A_417 : vector<1x16xf32> to vector<16xf32>
      %get3A_419 = arith.constant 7 : i64
      %get3A_420 = arith.index_cast %get3A_419 : i64 to index
      %get3A_421 = arith.index_cast %add3A_383 : i32 to index
      %get3A_422 = tpu.vector_load %arg4[%get3A_420, %get3A_421] {strides = array<i32>} : memref<16x512xf32, #tpu.memory_space<vmem>>, vector<1x16xf32>,
      %get3A_423 = vector.shape_cast %get3A_422 : vector<1x16xf32> to vector<16xf32>
      %get3A_424 = arith.constant 8 : i64
      %get3A_425 = arith.index_cast %get3A_424 : i64 to index
      %get3A_426 = arith.index_cast %add3A_383 : i32 to index
      %get3A_427 = tpu.vector_load %arg4[%get3A_425, %get3A_426] {strides = array<i32>} : memref<16x512xf32, #tpu.memory_space<vmem>>, vector<1x16xf32>,
      %get3A_428 = vector.shape_cast %get3A_427 : vector<1x16xf32> to vector<16xf32>
      %get3A_429 = arith.constant 9 : i64
      %get3A_430 = arith.index_cast %get3A_429 : i64 to index
      %get3A_431 = arith.index_cast %add3A_383 : i32 to index
      %get3A_432 = tpu.vector_load %arg4[%get3A_430, %get3A_431] {strides = array<i32>} : memref<16x512xf32, #tpu.memory_space<vmem>>, vector<1x16xf32>,
      %get3A_433 = vector.shape_cast %get3A_432 : vector<1x16xf32> to vector<16xf32>
      %get3A_434 = arith.constant 10 : i64
      %get3A_435 = arith.index_cast %get3A_434 : i64 to index
      %get3A_436 = arith.index_cast %add3A_383 : i32 to index
      %get3A_437 = tpu.vector_load %arg4[%get3A_435, %get3A_436] {strides = array<i32>} : memref<16x512xf32, #tpu.memory_space<vmem>>, vector<1x16xf32>,
      %get3A_438 = vector.shape_cast %get3A_437 : vector<1x16xf32> to vector<16xf32>
      %get3A_439 = arith.constant 11 : i64
      %get3A_440 = arith.index_cast %get3A_439 : i64 to index
      %get3A_441 = arith.index_cast %add3A_383 : i32 to index
      %get3A_442 = tpu.vector_load %arg4[%get3A_440, %get3A_441] {strides = array<i32>} : memref<16x512xf32, #tpu.memory_space<vmem>>, vector<1x16xf32>,
      %get3A_443 = vector.shape_cast %get3A_442 : vector<1x16xf32> to vector<16xf32>
      %get3A_444 = arith.constant 12 : i64
      %get3A_445 = arith.index_cast %get3A_444 : i64 to index
      %get3A_446 = arith.index_cast %add3A_383 : i32 to index
      %get3A_447 = tpu.vector_load %arg4[%get3A_445, %get3A_446] {strides = array<i32>} : memref<16x512xf32, #tpu.memory_space<vmem>>, vector<1x16xf32>,
      %get3A_448 = vector.shape_cast %get3A_447 : vector<1x16xf32> to vector<16xf32>
      %get3A_449 = arith.constant 13 : i64
      %get3A_450 = arith.index_cast %get3A_449 : i64 to index
      %get3A_451 = arith.index_cast %add3A_383 : i32 to index
      %get3A_452 = tpu.vector_load %arg4[%get3A_450, %get3A_451] {strides = array<i32>} : memref<16x512xf32, #tpu.memory_space<vmem>>, vector<1x16xf32>,
      %get3A_453 = vector.shape_cast %get3A_452 : vector<1x16xf32> to vector<16xf32>
      %get3A_454 = arith.constant 14 : i64
      %get3A_455 = arith.index_cast %get3A_454 : i64 to index
      %get3A_456 = arith.index_cast %add3A_383 : i32 to index
      %get3A_457 = tpu.vector_load %arg4[%get3A_455, %get3A_456] {strides = array<i32>} : memref<16x512xf32, #tpu.memory_space<vmem>>, vector<1x16xf32>,
      %get3A_458 = vector.shape_cast %get3A_457 : vector<1x16xf32> to vector<16xf32>
      %get3A_459 = arith.constant 15 : i64
      %get3A_460 = arith.index_cast %get3A_459 : i64 to index
      %get3A_461 = arith.index_cast %add3A_383 : i32 to index
      %get3A_462 = tpu.vector_load %arg4[%get3A_460, %get3A_461] {strides = array<i32>} : memref<16x512xf32, #tpu.memory_space<vmem>>, vector<1x16xf32>,
      %get3A_463 = vector.shape_cast %get3A_462 : vector<1x16xf32> to vector<16xf32>
      %min3A_464 = arith.minimumf %get3A_388, %get3A_393 : vector<16xf32>
      %max3A_465 = arith.maximumf %broadcast_in_dim3A_9, %min3A_464 : vector<16xf32>
      %max3A_466 = arith.maximumf %get3A_388, %get3A_393 : vector<16xf32>
      %min3A_467 = arith.minimumf %max3A_466, %get3A_398 : vector<16xf32>
      %max3A_468 = arith.maximumf %max3A_465, %min3A_467 : vector<16xf32>
      %max3A_469 = arith.maximumf %max3A_466, %get3A_398 : vector<16xf32>
      %min3A_470 = arith.minimumf %max3A_469, %get3A_403 : vector<16xf32>
      %max3A_471 = arith.maximumf %max3A_468, %min3A_470 : vector<16xf32>
      %max3A_472 = arith.maximumf %max3A_469, %get3A_403 : vector<16xf32>
      %min3A_473 = arith.minimumf %max3A_472, %get3A_408 : vector<16xf32>
      %max3A_474 = arith.maximumf %max3A_471, %min3A_473 : vector<16xf32>
      %max3A_475 = arith.maximumf %max3A_472, %get3A_408 : vector<16xf32>
      %min3A_476 = arith.minimumf %max3A_475, %get3A_413 : vector<16xf32>
      %max3A_477 = arith.maximumf %max3A_474, %min3A_476 : vector<16xf32>
      %max3A_478 = arith.maximumf %max3A_475, %get3A_413 : vector<16xf32>
      %min3A_479 = arith.minimumf %max3A_478, %get3A_418 : vector<16xf32>
      %max3A_480 = arith.maximumf %max3A_477, %min3A_479 : vector<16xf32>
      %max3A_481 = arith.maximumf %max3A_478, %get3A_418 : vector<16xf32>
      %min3A_482 = arith.minimumf %max3A_481, %get3A_423 : vector<16xf32>
      %max3A_483 = arith.maximumf %max3A_480, %min3A_482 : vector<16xf32>
      %max3A_484 = arith.maximumf %max3A_481, %get3A_423 : vector<16xf32>
      %min3A_485 = arith.minimumf %max3A_484, %get3A_428 : vector<16xf32>
      %max3A_486 = arith.maximumf %max3A_483, %min3A_485 : vector<16xf32>
      %max3A_487 = arith.maximumf %max3A_484, %get3A_428 : vector<16xf32>
      %min3A_488 = arith.minimumf %max3A_487, %get3A_433 : vector<16xf32>
      %max3A_489 = arith.maximumf %max3A_486, %min3A_488 : vector<16xf32>
      %max3A_490 = arith.maximumf %max3A_487, %get3A_433 : vector<16xf32>
      %min3A_491 = arith.minimumf %max3A_490, %get3A_438 : vector<16xf32>
      %max3A_492 = arith.maximumf %max3A_489, %min3A_491 : vector<16xf32>
      %max3A_493 = arith.maximumf %max3A_490, %get3A_438 : vector<16xf32>
      %min3A_494 = arith.minimumf %max3A_493, %get3A_443 : vector<16xf32>
      %max3A_495 = arith.maximumf %max3A_492, %min3A_494 : vector<16xf32>
      %max3A_496 = arith.maximumf %max3A_493, %get3A_443 : vector<16xf32>
      %min3A_497 = arith.minimumf %max3A_496, %get3A_448 : vector<16xf32>
      %max3A_498 = arith.maximumf %max3A_495, %min3A_497 : vector<16xf32>
      %max3A_499 = arith.maximumf %max3A_496, %get3A_448 : vector<16xf32>
      %min3A_500 = arith.minimumf %max3A_499, %get3A_453 : vector<16xf32>
      %max3A_501 = arith.maximumf %max3A_498, %min3A_500 : vector<16xf32>
      %max3A_502 = arith.maximumf %max3A_499, %get3A_453 : vector<16xf32>
      %min3A_503 = arith.minimumf %max3A_502, %get3A_458 : vector<16xf32>
      %max3A_504 = arith.maximumf %max3A_501, %min3A_503 : vector<16xf32>
      %max3A_505 = arith.maximumf %max3A_502, %get3A_458 : vector<16xf32>
      %min3A_506 = arith.minimumf %max3A_505, %get3A_463 : vector<16xf32>
      %max3A_507 = arith.maximumf %max3A_504, %min3A_506 : vector<16xf32>
      %max3A_508 = arith.maximumf %max3A_505, %get3A_463 : vector<16xf32>
      %gt3A_509 = arith.cmpf ogt, %max3A_508, %max3A_507 : vector<16xf32>
      %select_n3A_510 = arith.select %gt3A_509, %broadcast_in_dim3A_3, %broadcast_in_dim3A_7 : vector<16xi1>, vector<16xi32>
      %eq3A_511 = arith.cmpf oeq, %get3A_388, %max3A_507 : vector<16xf32>
      %select_n3A_512 = arith.select %eq3A_511, %broadcast_in_dim3A_3, %broadcast_in_dim3A_5 : vector<16xi1>, vector<16xi32>
      %gt3A_513 = arith.cmpf ogt, %get3A_388, %max3A_507 : vector<16xf32>
      %select_n3A_514 = arith.select %gt3A_513, %broadcast_in_dim3A_3, %broadcast_in_dim3A_5 : vector<16xi1>, vector<16xi32>
      %lt3A_515 = arith.cmpi slt, %broadcast_in_dim3A_5, %select_n3A_510 : vector<16xi32>
      %select_n3A_516 = arith.select %lt3A_515, %broadcast_in_dim3A_3, %broadcast_in_dim3A_5 : vector<16xi1>, vector<16xi32>
      %and3A_517 = arith.andi %select_n3A_512, %select_n3A_516 : vector<16xi32>
      %or3A_518 = arith.ori %select_n3A_514, %and3A_517 : vector<16xi32>
      %swap3A_519 = arith.constant 0 : i64
      %swap3A_520 = arith.index_cast %swap3A_519 : i64 to index
      %swap3A_521 = arith.index_cast %add3A_383 : i32 to index
      %swap3A_522 = tpu.vector_load %arg5[%swap3A_520, %swap3A_521] {strides = array<i32>} : memref<16x512xi32, #tpu.memory_space<vmem>>, vector<1x16xi32>,
      %swap3A_523 = vector.shape_cast %swap3A_522 : vector<1x16xi32> to vector<16xi32>
      %swap3A_524 = vector.shape_cast %or3A_518 : vector<16xi32> to vector<1x16xi32>
      tpu.vector_store %arg5[%swap3A_520, %swap3A_521], %swap3A_524 {strides = array<i32>} : memref<16x512xi32, #tpu.memory_space<vmem>>, vector<1x16xi32>,
      %add3A_525 = arith.addi %broadcast_in_dim3A_5, %select_n3A_512 : vector<16xi32>
      %eq3A_526 = arith.cmpf oeq, %get3A_393, %max3A_507 : vector<16xf32>
      %select_n3A_527 = arith.select %eq3A_526, %broadcast_in_dim3A_3, %broadcast_in_dim3A_5 : vector<16xi1>, vector<16xi32>
      %gt3A_528 = arith.cmpf ogt, %get3A_393, %max3A_507 : vector<16xf32>
      %select_n3A_529 = arith.select %gt3A_528, %broadcast_in_dim3A_3, %broadcast_in_dim3A_5 : vector<16xi1>, vector<16xi32>
      %lt3A_530 = arith.cmpi slt, %add3A_525, %select_n3A_510 : vector<16xi32>
      %select_n3A_531 = arith.select %lt3A_530, %broadcast_in_dim3A_3, %broadcast_in_dim3A_5 : vector<16xi1>, vector<16xi32>
      %and3A_532 = arith.andi %select_n3A_527, %select_n3A_531 : vector<16xi32>
      %or3A_533 = arith.ori %select_n3A_529, %and3A_532 : vector<16xi32>
      %swap3A_534 = arith.constant 1 : i64
      %swap3A_535 = arith.index_cast %swap3A_534 : i64 to index
      %swap3A_536 = arith.index_cast %add3A_383 : i32 to index
      %swap3A_537 = tpu.vector_load %arg5[%swap3A_535, %swap3A_536] {strides = array<i32>} : memref<16x512xi32, #tpu.memory_space<vmem>>, vector<1x16xi32>,
      %swap3A_538 = vector.shape_cast %swap3A_537 : vector<1x16xi32> to vector<16xi32>
      %swap3A_539 = vector.shape_cast %or3A_533 : vector<16xi32> to vector<1x16xi32>
      tpu.vector_store %arg5[%swap3A_535, %swap3A_536], %swap3A_539 {strides = array<i32>} : memref<16x512xi32, #tpu.memory_space<vmem>>, vector<1x16xi32>,
      %add3A_540 = arith.addi %add3A_525, %select_n3A_527 : vector<16xi32>
      %eq3A_541 = arith.cmpf oeq, %get3A_398, %max3A_507 : vector<16xf32>
      %select_n3A_542 = arith.select %eq3A_541, %broadcast_in_dim3A_3, %broadcast_in_dim3A_5 : vector<16xi1>, vector<16xi32>
      %gt3A_543 = arith.cmpf ogt, %get3A_398, %max3A_507 : vector<16xf32>
      %select_n3A_544 = arith.select %gt3A_543, %broadcast_in_dim3A_3, %broadcast_in_dim3A_5 : vector<16xi1>, vector<16xi32>
      %lt3A_545 = arith.cmpi slt, %add3A_540, %select_n3A_510 : vector<16xi32>
      %select_n3A_546 = arith.select %lt3A_545, %broadcast_in_dim3A_3, %broadcast_in_dim3A_5 : vector<16xi1>, vector<16xi32>
      %and3A_547 = arith.andi %select_n3A_542, %select_n3A_546 : vector<16xi32>
      %or3A_548 = arith.ori %select_n3A_544, %and3A_547 : vector<16xi32>
      %swap3A_549 = arith.constant 2 : i64
      %swap3A_550 = arith.index_cast %swap3A_549 : i64 to index
      %swap3A_551 = arith.index_cast %add3A_383 : i32 to index
      %swap3A_552 = tpu.vector_load %arg5[%swap3A_550, %swap3A_551] {strides = array<i32>} : memref<16x512xi32, #tpu.memory_space<vmem>>, vector<1x16xi32>,
      %swap3A_553 = vector.shape_cast %swap3A_552 : vector<1x16xi32> to vector<16xi32>
      %swap3A_554 = vector.shape_cast %or3A_548 : vector<16xi32> to vector<1x16xi32>
      tpu.vector_store %arg5[%swap3A_550, %swap3A_551], %swap3A_554 {strides = array<i32>} : memref<16x512xi32, #tpu.memory_space<vmem>>, vector<1x16xi32>,
      %add3A_555 = arith.addi %add3A_540, %select_n3A_542 : vector<16xi32>
      %eq3A_556 = arith.cmpf oeq, %get3A_403, %max3A_507 : vector<16xf32>
      %select_n3A_557 = arith.select %eq3A_556, %broadcast_in_dim3A_3, %broadcast_in_dim3A_5 : vector<16xi1>, vector<16xi32>
      %gt3A_558 = arith.cmpf ogt, %get3A_403, %max3A_507 : vector<16xf32>
      %select_n3A_559 = arith.select %gt3A_558, %broadcast_in_dim3A_3, %broadcast_in_dim3A_5 : vector<16xi1>, vector<16xi32>
      %lt3A_560 = arith.cmpi slt, %add3A_555, %select_n3A_510 : vector<16xi32>
      %select_n3A_561 = arith.select %lt3A_560, %broadcast_in_dim3A_3, %broadcast_in_dim3A_5 : vector<16xi1>, vector<16xi32>
      %and3A_562 = arith.andi %select_n3A_557, %select_n3A_561 : vector<16xi32>
      %or3A_563 = arith.ori %select_n3A_559, %and3A_562 : vector<16xi32>
      %swap3A_564 = arith.constant 3 : i64
      %swap3A_565 = arith.index_cast %swap3A_564 : i64 to index
      %swap3A_566 = arith.index_cast %add3A_383 : i32 to index
      %swap3A_567 = tpu.vector_load %arg5[%swap3A_565, %swap3A_566] {strides = array<i32>} : memref<16x512xi32, #tpu.memory_space<vmem>>, vector<1x16xi32>,
      %swap3A_568 = vector.shape_cast %swap3A_567 : vector<1x16xi32> to vector<16xi32>
      %swap3A_569 = vector.shape_cast %or3A_563 : vector<16xi32> to vector<1x16xi32>
      tpu.vector_store %arg5[%swap3A_565, %swap3A_566], %swap3A_569 {strides = array<i32>} : memref<16x512xi32, #tpu.memory_space<vmem>>, vector<1x16xi32>,
      %add3A_570 = arith.addi %add3A_555, %select_n3A_557 : vector<16xi32>
      %eq3A_571 = arith.cmpf oeq, %get3A_408, %max3A_507 : vector<16xf32>
      %select_n3A_572 = arith.select %eq3A_571, %broadcast_in_dim3A_3, %broadcast_in_dim3A_5 : vector<16xi1>, vector<16xi32>
      %gt3A_573 = arith.cmpf ogt, %get3A_408, %max3A_507 : vector<16xf32>
      %select_n3A_574 = arith.select %gt3A_573, %broadcast_in_dim3A_3, %broadcast_in_dim3A_5 : vector<16xi1>, vector<16xi32>
      %lt3A_575 = arith.cmpi slt, %add3A_570, %select_n3A_510 : vector<16xi32>
      %select_n3A_576 = arith.select %lt3A_575, %broadcast_in_dim3A_3, %broadcast_in_dim3A_5 : vector<16xi1>, vector<16xi32>
      %and3A_577 = arith.andi %select_n3A_572, %select_n3A_576 : vector<16xi32>
      %or3A_578 = arith.ori %select_n3A_574, %and3A_577 : vector<16xi32>
      %swap3A_579 = arith.constant 4 : i64
      %swap3A_580 = arith.index_cast %swap3A_579 : i64 to index
      %swap3A_581 = arith.index_cast %add3A_383 : i32 to index
      %swap3A_582 = tpu.vector_load %arg5[%swap3A_580, %swap3A_581] {strides = array<i32>} : memref<16x512xi32, #tpu.memory_space<vmem>>, vector<1x16xi32>,
      %swap3A_583 = vector.shape_cast %swap3A_582 : vector<1x16xi32> to vector<16xi32>
      %swap3A_584 = vector.shape_cast %or3A_578 : vector<16xi32> to vector<1x16xi32>
      tpu.vector_store %arg5[%swap3A_580, %swap3A_581], %swap3A_584 {strides = array<i32>} : memref<16x512xi32, #tpu.memory_space<vmem>>, vector<1x16xi32>,
      %add3A_585 = arith.addi %add3A_570, %select_n3A_572 : vector<16xi32>
      %eq3A_586 = arith.cmpf oeq, %get3A_413, %max3A_507 : vector<16xf32>
      %select_n3A_587 = arith.select %eq3A_586, %broadcast_in_dim3A_3, %broadcast_in_dim3A_5 : vector<16xi1>, vector<16xi32>
      %gt3A_588 = arith.cmpf ogt, %get3A_413, %max3A_507 : vector<16xf32>
      %select_n3A_589 = arith.select %gt3A_588, %broadcast_in_dim3A_3, %broadcast_in_dim3A_5 : vector<16xi1>, vector<16xi32>
      %lt3A_590 = arith.cmpi slt, %add3A_585, %select_n3A_510 : vector<16xi32>
      %select_n3A_591 = arith.select %lt3A_590, %broadcast_in_dim3A_3, %broadcast_in_dim3A_5 : vector<16xi1>, vector<16xi32>
      %and3A_592 = arith.andi %select_n3A_587, %select_n3A_591 : vector<16xi32>
      %or3A_593 = arith.ori %select_n3A_589, %and3A_592 : vector<16xi32>
      %swap3A_594 = arith.constant 5 : i64
      %swap3A_595 = arith.index_cast %swap3A_594 : i64 to index
      %swap3A_596 = arith.index_cast %add3A_383 : i32 to index
      %swap3A_597 = tpu.vector_load %arg5[%swap3A_595, %swap3A_596] {strides = array<i32>} : memref<16x512xi32, #tpu.memory_space<vmem>>, vector<1x16xi32>,
      %swap3A_598 = vector.shape_cast %swap3A_597 : vector<1x16xi32> to vector<16xi32>
      %swap3A_599 = vector.shape_cast %or3A_593 : vector<16xi32> to vector<1x16xi32>
      tpu.vector_store %arg5[%swap3A_595, %swap3A_596], %swap3A_599 {strides = array<i32>} : memref<16x512xi32, #tpu.memory_space<vmem>>, vector<1x16xi32>,
      %add3A_600 = arith.addi %add3A_585, %select_n3A_587 : vector<16xi32>
      %eq3A_601 = arith.cmpf oeq, %get3A_418, %max3A_507 : vector<16xf32>
      %select_n3A_602 = arith.select %eq3A_601, %broadcast_in_dim3A_3, %broadcast_in_dim3A_5 : vector<16xi1>, vector<16xi32>
      %gt3A_603 = arith.cmpf ogt, %get3A_418, %max3A_507 : vector<16xf32>
      %select_n3A_604 = arith.select %gt3A_603, %broadcast_in_dim3A_3, %broadcast_in_dim3A_5 : vector<16xi1>, vector<16xi32>
      %lt3A_605 = arith.cmpi slt, %add3A_600, %select_n3A_510 : vector<16xi32>
      %select_n3A_606 = arith.select %lt3A_605, %broadcast_in_dim3A_3, %broadcast_in_dim3A_5 : vector<16xi1>, vector<16xi32>
      %and3A_607 = arith.andi %select_n3A_602, %select_n3A_606 : vector<16xi32>
      %or3A_608 = arith.ori %select_n3A_604, %and3A_607 : vector<16xi32>
      %swap3A_609 = arith.constant 6 : i64
      %swap3A_610 = arith.index_cast %swap3A_609 : i64 to index
      %swap3A_611 = arith.index_cast %add3A_383 : i32 to index
      %swap3A_612 = tpu.vector_load %arg5[%swap3A_610, %swap3A_611] {strides = array<i32>} : memref<16x512xi32, #tpu.memory_space<vmem>>, vector<1x16xi32>,
      %swap3A_613 = vector.shape_cast %swap3A_612 : vector<1x16xi32> to vector<16xi32>
      %swap3A_614 = vector.shape_cast %or3A_608 : vector<16xi32> to vector<1x16xi32>
      tpu.vector_store %arg5[%swap3A_610, %swap3A_611], %swap3A_614 {strides = array<i32>} : memref<16x512xi32, #tpu.memory_space<vmem>>, vector<1x16xi32>,
      %add3A_615 = arith.addi %add3A_600, %select_n3A_602 : vector<16xi32>
      %eq3A_616 = arith.cmpf oeq, %get3A_423, %max3A_507 : vector<16xf32>
      %select_n3A_617 = arith.select %eq3A_616, %broadcast_in_dim3A_3, %broadcast_in_dim3A_5 : vector<16xi1>, vector<16xi32>
      %gt3A_618 = arith.cmpf ogt, %get3A_423, %max3A_507 : vector<16xf32>
      %select_n3A_619 = arith.select %gt3A_618, %broadcast_in_dim3A_3, %broadcast_in_dim3A_5 : vector<16xi1>, vector<16xi32>
      %lt3A_620 = arith.cmpi slt, %add3A_615, %select_n3A_510 : vector<16xi32>
      %select_n3A_621 = arith.select %lt3A_620, %broadcast_in_dim3A_3, %broadcast_in_dim3A_5 : vector<16xi1>, vector<16xi32>
      %and3A_622 = arith.andi %select_n3A_617, %select_n3A_621 : vector<16xi32>
      %or3A_623 = arith.ori %select_n3A_619, %and3A_622 : vector<16xi32>
      %swap3A_624 = arith.constant 7 : i64
      %swap3A_625 = arith.index_cast %swap3A_624 : i64 to index
      %swap3A_626 = arith.index_cast %add3A_383 : i32 to index
      %swap3A_627 = tpu.vector_load %arg5[%swap3A_625, %swap3A_626] {strides = array<i32>} : memref<16x512xi32, #tpu.memory_space<vmem>>, vector<1x16xi32>,
      %swap3A_628 = vector.shape_cast %swap3A_627 : vector<1x16xi32> to vector<16xi32>
      %swap3A_629 = vector.shape_cast %or3A_623 : vector<16xi32> to vector<1x16xi32>
      tpu.vector_store %arg5[%swap3A_625, %swap3A_626], %swap3A_629 {strides = array<i32>} : memref<16x512xi32, #tpu.memory_space<vmem>>, vector<1x16xi32>,
      %add3A_630 = arith.addi %add3A_615, %select_n3A_617 : vector<16xi32>
      %eq3A_631 = arith.cmpf oeq, %get3A_428, %max3A_507 : vector<16xf32>
      %select_n3A_632 = arith.select %eq3A_631, %broadcast_in_dim3A_3, %broadcast_in_dim3A_5 : vector<16xi1>, vector<16xi32>
      %gt3A_633 = arith.cmpf ogt, %get3A_428, %max3A_507 : vector<16xf32>
      %select_n3A_634 = arith.select %gt3A_633, %broadcast_in_dim3A_3, %broadcast_in_dim3A_5 : vector<16xi1>, vector<16xi32>
      %lt3A_635 = arith.cmpi slt, %add3A_630, %select_n3A_510 : vector<16xi32>
      %select_n3A_636 = arith.select %lt3A_635, %broadcast_in_dim3A_3, %broadcast_in_dim3A_5 : vector<16xi1>, vector<16xi32>
      %and3A_637 = arith.andi %select_n3A_632, %select_n3A_636 : vector<16xi32>
      %or3A_638 = arith.ori %select_n3A_634, %and3A_637 : vector<16xi32>
      %swap3A_639 = arith.constant 8 : i64
      %swap3A_640 = arith.index_cast %swap3A_639 : i64 to index
      %swap3A_641 = arith.index_cast %add3A_383 : i32 to index
      %swap3A_642 = tpu.vector_load %arg5[%swap3A_640, %swap3A_641] {strides = array<i32>} : memref<16x512xi32, #tpu.memory_space<vmem>>, vector<1x16xi32>,
      %swap3A_643 = vector.shape_cast %swap3A_642 : vector<1x16xi32> to vector<16xi32>
      %swap3A_644 = vector.shape_cast %or3A_638 : vector<16xi32> to vector<1x16xi32>
      tpu.vector_store %arg5[%swap3A_640, %swap3A_641], %swap3A_644 {strides = array<i32>} : memref<16x512xi32, #tpu.memory_space<vmem>>, vector<1x16xi32>,
      %add3A_645 = arith.addi %add3A_630, %select_n3A_632 : vector<16xi32>
      %eq3A_646 = arith.cmpf oeq, %get3A_433, %max3A_507 : vector<16xf32>
      %select_n3A_647 = arith.select %eq3A_646, %broadcast_in_dim3A_3, %broadcast_in_dim3A_5 : vector<16xi1>, vector<16xi32>
      %gt3A_648 = arith.cmpf ogt, %get3A_433, %max3A_507 : vector<16xf32>
      %select_n3A_649 = arith.select %gt3A_648, %broadcast_in_dim3A_3, %broadcast_in_dim3A_5 : vector<16xi1>, vector<16xi32>
      %lt3A_650 = arith.cmpi slt, %add3A_645, %select_n3A_510 : vector<16xi32>
      %select_n3A_651 = arith.select %lt3A_650, %broadcast_in_dim3A_3, %broadcast_in_dim3A_5 : vector<16xi1>, vector<16xi32>
      %and3A_652 = arith.andi %select_n3A_647, %select_n3A_651 : vector<16xi32>
      %or3A_653 = arith.ori %select_n3A_649, %and3A_652 : vector<16xi32>
      %swap3A_654 = arith.constant 9 : i64
      %swap3A_655 = arith.index_cast %swap3A_654 : i64 to index
      %swap3A_656 = arith.index_cast %add3A_383 : i32 to index
      %swap3A_657 = tpu.vector_load %arg5[%swap3A_655, %swap3A_656] {strides = array<i32>} : memref<16x512xi32, #tpu.memory_space<vmem>>, vector<1x16xi32>,
      %swap3A_658 = vector.shape_cast %swap3A_657 : vector<1x16xi32> to vector<16xi32>
      %swap3A_659 = vector.shape_cast %or3A_653 : vector<16xi32> to vector<1x16xi32>
      tpu.vector_store %arg5[%swap3A_655, %swap3A_656], %swap3A_659 {strides = array<i32>} : memref<16x512xi32, #tpu.memory_space<vmem>>, vector<1x16xi32>,
      %add3A_660 = arith.addi %add3A_645, %select_n3A_647 : vector<16xi32>
      %eq3A_661 = arith.cmpf oeq, %get3A_438, %max3A_507 : vector<16xf32>
      %select_n3A_662 = arith.select %eq3A_661, %broadcast_in_dim3A_3, %broadcast_in_dim3A_5 : vector<16xi1>, vector<16xi32>
      %gt3A_663 = arith.cmpf ogt, %get3A_438, %max3A_507 : vector<16xf32>
      %select_n3A_664 = arith.select %gt3A_663, %broadcast_in_dim3A_3, %broadcast_in_dim3A_5 : vector<16xi1>, vector<16xi32>
      %lt3A_665 = arith.cmpi slt, %add3A_660, %select_n3A_510 : vector<16xi32>
      %select_n3A_666 = arith.select %lt3A_665, %broadcast_in_dim3A_3, %broadcast_in_dim3A_5 : vector<16xi1>, vector<16xi32>
      %and3A_667 = arith.andi %select_n3A_662, %select_n3A_666 : vector<16xi32>
      %or3A_668 = arith.ori %select_n3A_664, %and3A_667 : vector<16xi32>
      %swap3A_669 = arith.constant 10 : i64
      %swap3A_670 = arith.index_cast %swap3A_669 : i64 to index
      %swap3A_671 = arith.index_cast %add3A_383 : i32 to index
      %swap3A_672 = tpu.vector_load %arg5[%swap3A_670, %swap3A_671] {strides = array<i32>} : memref<16x512xi32, #tpu.memory_space<vmem>>, vector<1x16xi32>,
      %swap3A_673 = vector.shape_cast %swap3A_672 : vector<1x16xi32> to vector<16xi32>
      %swap3A_674 = vector.shape_cast %or3A_668 : vector<16xi32> to vector<1x16xi32>
      tpu.vector_store %arg5[%swap3A_670, %swap3A_671], %swap3A_674 {strides = array<i32>} : memref<16x512xi32, #tpu.memory_space<vmem>>, vector<1x16xi32>,
      %add3A_675 = arith.addi %add3A_660, %select_n3A_662 : vector<16xi32>
      %eq3A_676 = arith.cmpf oeq, %get3A_443, %max3A_507 : vector<16xf32>
      %select_n3A_677 = arith.select %eq3A_676, %broadcast_in_dim3A_3, %broadcast_in_dim3A_5 : vector<16xi1>, vector<16xi32>
      %gt3A_678 = arith.cmpf ogt, %get3A_443, %max3A_507 : vector<16xf32>
      %select_n3A_679 = arith.select %gt3A_678, %broadcast_in_dim3A_3, %broadcast_in_dim3A_5 : vector<16xi1>, vector<16xi32>
      %lt3A_680 = arith.cmpi slt, %add3A_675, %select_n3A_510 : vector<16xi32>
      %select_n3A_681 = arith.select %lt3A_680, %broadcast_in_dim3A_3, %broadcast_in_dim3A_5 : vector<16xi1>, vector<16xi32>
      %and3A_682 = arith.andi %select_n3A_677, %select_n3A_681 : vector<16xi32>
      %or3A_683 = arith.ori %select_n3A_679, %and3A_682 : vector<16xi32>
      %swap3A_684 = arith.constant 11 : i64
      %swap3A_685 = arith.index_cast %swap3A_684 : i64 to index
      %swap3A_686 = arith.index_cast %add3A_383 : i32 to index
      %swap3A_687 = tpu.vector_load %arg5[%swap3A_685, %swap3A_686] {strides = array<i32>} : memref<16x512xi32, #tpu.memory_space<vmem>>, vector<1x16xi32>,
      %swap3A_688 = vector.shape_cast %swap3A_687 : vector<1x16xi32> to vector<16xi32>
      %swap3A_689 = vector.shape_cast %or3A_683 : vector<16xi32> to vector<1x16xi32>
      tpu.vector_store %arg5[%swap3A_685, %swap3A_686], %swap3A_689 {strides = array<i32>} : memref<16x512xi32, #tpu.memory_space<vmem>>, vector<1x16xi32>,
      %add3A_690 = arith.addi %add3A_675, %select_n3A_677 : vector<16xi32>
      %eq3A_691 = arith.cmpf oeq, %get3A_448, %max3A_507 : vector<16xf32>
      %select_n3A_692 = arith.select %eq3A_691, %broadcast_in_dim3A_3, %broadcast_in_dim3A_5 : vector<16xi1>, vector<16xi32>
      %gt3A_693 = arith.cmpf ogt, %get3A_448, %max3A_507 : vector<16xf32>
      %select_n3A_694 = arith.select %gt3A_693, %broadcast_in_dim3A_3, %broadcast_in_dim3A_5 : vector<16xi1>, vector<16xi32>
      %lt3A_695 = arith.cmpi slt, %add3A_690, %select_n3A_510 : vector<16xi32>
      %select_n3A_696 = arith.select %lt3A_695, %broadcast_in_dim3A_3, %broadcast_in_dim3A_5 : vector<16xi1>, vector<16xi32>
      %and3A_697 = arith.andi %select_n3A_692, %select_n3A_696 : vector<16xi32>
      %or3A_698 = arith.ori %select_n3A_694, %and3A_697 : vector<16xi32>
      %swap3A_699 = arith.constant 12 : i64
      %swap3A_700 = arith.index_cast %swap3A_699 : i64 to index
      %swap3A_701 = arith.index_cast %add3A_383 : i32 to index
      %swap3A_702 = tpu.vector_load %arg5[%swap3A_700, %swap3A_701] {strides = array<i32>} : memref<16x512xi32, #tpu.memory_space<vmem>>, vector<1x16xi32>,
      %swap3A_703 = vector.shape_cast %swap3A_702 : vector<1x16xi32> to vector<16xi32>
      %swap3A_704 = vector.shape_cast %or3A_698 : vector<16xi32> to vector<1x16xi32>
      tpu.vector_store %arg5[%swap3A_700, %swap3A_701], %swap3A_704 {strides = array<i32>} : memref<16x512xi32, #tpu.memory_space<vmem>>, vector<1x16xi32>,
      %add3A_705 = arith.addi %add3A_690, %select_n3A_692 : vector<16xi32>
      %eq3A_706 = arith.cmpf oeq, %get3A_453, %max3A_507 : vector<16xf32>
      %select_n3A_707 = arith.select %eq3A_706, %broadcast_in_dim3A_3, %broadcast_in_dim3A_5 : vector<16xi1>, vector<16xi32>
      %gt3A_708 = arith.cmpf ogt, %get3A_453, %max3A_507 : vector<16xf32>
      %select_n3A_709 = arith.select %gt3A_708, %broadcast_in_dim3A_3, %broadcast_in_dim3A_5 : vector<16xi1>, vector<16xi32>
      %lt3A_710 = arith.cmpi slt, %add3A_705, %select_n3A_510 : vector<16xi32>
      %select_n3A_711 = arith.select %lt3A_710, %broadcast_in_dim3A_3, %broadcast_in_dim3A_5 : vector<16xi1>, vector<16xi32>
      %and3A_712 = arith.andi %select_n3A_707, %select_n3A_711 : vector<16xi32>
      %or3A_713 = arith.ori %select_n3A_709, %and3A_712 : vector<16xi32>
      %swap3A_714 = arith.constant 13 : i64
      %swap3A_715 = arith.index_cast %swap3A_714 : i64 to index
      %swap3A_716 = arith.index_cast %add3A_383 : i32 to index
      %swap3A_717 = tpu.vector_load %arg5[%swap3A_715, %swap3A_716] {strides = array<i32>} : memref<16x512xi32, #tpu.memory_space<vmem>>, vector<1x16xi32>,
      %swap3A_718 = vector.shape_cast %swap3A_717 : vector<1x16xi32> to vector<16xi32>
      %swap3A_719 = vector.shape_cast %or3A_713 : vector<16xi32> to vector<1x16xi32>
      tpu.vector_store %arg5[%swap3A_715, %swap3A_716], %swap3A_719 {strides = array<i32>} : memref<16x512xi32, #tpu.memory_space<vmem>>, vector<1x16xi32>,
      %add3A_720 = arith.addi %add3A_705, %select_n3A_707 : vector<16xi32>
      %eq3A_721 = arith.cmpf oeq, %get3A_458, %max3A_507 : vector<16xf32>
      %select_n3A_722 = arith.select %eq3A_721, %broadcast_in_dim3A_3, %broadcast_in_dim3A_5 : vector<16xi1>, vector<16xi32>
      %gt3A_723 = arith.cmpf ogt, %get3A_458, %max3A_507 : vector<16xf32>
      %select_n3A_724 = arith.select %gt3A_723, %broadcast_in_dim3A_3, %broadcast_in_dim3A_5 : vector<16xi1>, vector<16xi32>
      %lt3A_725 = arith.cmpi slt, %add3A_720, %select_n3A_510 : vector<16xi32>
      %select_n3A_726 = arith.select %lt3A_725, %broadcast_in_dim3A_3, %broadcast_in_dim3A_5 : vector<16xi1>, vector<16xi32>
      %and3A_727 = arith.andi %select_n3A_722, %select_n3A_726 : vector<16xi32>
      %or3A_728 = arith.ori %select_n3A_724, %and3A_727 : vector<16xi32>
      %swap3A_729 = arith.constant 14 : i64
      %swap3A_730 = arith.index_cast %swap3A_729 : i64 to index
      %swap3A_731 = arith.index_cast %add3A_383 : i32 to index
      %swap3A_732 = tpu.vector_load %arg5[%swap3A_730, %swap3A_731] {strides = array<i32>} : memref<16x512xi32, #tpu.memory_space<vmem>>, vector<1x16xi32>,
      %swap3A_733 = vector.shape_cast %swap3A_732 : vector<1x16xi32> to vector<16xi32>
      %swap3A_734 = vector.shape_cast %or3A_728 : vector<16xi32> to vector<1x16xi32>
      tpu.vector_store %arg5[%swap3A_730, %swap3A_731], %swap3A_734 {strides = array<i32>} : memref<16x512xi32, #tpu.memory_space<vmem>>, vector<1x16xi32>,
      %add3A_735 = arith.addi %add3A_720, %select_n3A_722 : vector<16xi32>
      %eq3A_736 = arith.cmpf oeq, %get3A_463, %max3A_507 : vector<16xf32>
      %select_n3A_737 = arith.select %eq3A_736, %broadcast_in_dim3A_3, %broadcast_in_dim3A_5 : vector<16xi1>, vector<16xi32>
      %gt3A_738 = arith.cmpf ogt, %get3A_463, %max3A_507 : vector<16xf32>
      %select_n3A_739 = arith.select %gt3A_738, %broadcast_in_dim3A_3, %broadcast_in_dim3A_5 : vector<16xi1>, vector<16xi32>
      %lt3A_740 = arith.cmpi slt, %add3A_735, %select_n3A_510 : vector<16xi32>
      %select_n3A_741 = arith.select %lt3A_740, %broadcast_in_dim3A_3, %broadcast_in_dim3A_5 : vector<16xi1>, vector<16xi32>
      %and3A_742 = arith.andi %select_n3A_737, %select_n3A_741 : vector<16xi32>
      %or3A_743 = arith.ori %select_n3A_739, %and3A_742 : vector<16xi32>
      %swap3A_744 = arith.constant 15 : i64
      %swap3A_745 = arith.index_cast %swap3A_744 : i64 to index
      %swap3A_746 = arith.index_cast %add3A_383 : i32 to index
      %swap3A_747 = tpu.vector_load %arg5[%swap3A_745, %swap3A_746] {strides = array<i32>} : memref<16x512xi32, #tpu.memory_space<vmem>>, vector<1x16xi32>,
      %swap3A_748 = vector.shape_cast %swap3A_747 : vector<1x16xi32> to vector<16xi32>
      %swap3A_749 = vector.shape_cast %or3A_743 : vector<16xi32> to vector<1x16xi32>
      tpu.vector_store %arg5[%swap3A_745, %swap3A_746], %swap3A_749 {strides = array<i32>} : memref<16x512xi32, #tpu.memory_space<vmem>>, vector<1x16xi32>,
      %add3A_750 = arith.addi %add3A_735, %select_n3A_737 : vector<16xi32>
    }
    "tpu.region"() ({
      %run_scoped3A = tpu.sem_alloc : memref<!tpu.dma_semaphore, #tpu.memory_space<semaphore_mem>>
      %dma_start3A = arith.constant 0 : i32
      %dma_start3A_20 = tpu.memref_slice %arg3[%dma_start3A, %mul3A_2] : memref<16x16384xi32, #tpu.memory_space<hbm>> -> memref<16x512xi32, #tpu.memory_space<hbm>>
      %dma_start3A_21 = arith.constant 0 : i32
      %dma_start3A_22 = tpu.memref_slice %arg3[%dma_start3A_21, %mul3A_2] : memref<16x16384xi32, #tpu.memory_space<hbm>> -> memref<16x512xi32, #tpu.memory_space<hbm>>
      tpu.enqueue_dma source(%arg5 : memref<16x512xi32, #tpu.memory_space<vmem>>) target(%dma_start3A_22 : memref<16x512xi32, #tpu.memory_space<hbm>>) target_semaphore(%run_scoped3A : memref<!tpu.dma_semaphore, #tpu.memory_space<semaphore_mem>>)
      %dma_wait3A = arith.constant 0 : i32
      %dma_wait3A_23 = tpu.memref_slice %arg3[%dma_wait3A, %mul3A_2] : memref<16x16384xi32, #tpu.memory_space<hbm>> -> memref<16x512xi32, #tpu.memory_space<hbm>>
      %dma_wait3A_24 = arith.constant 0 : i32
      %dma_wait3A_25 = tpu.memref_slice %arg3[%dma_wait3A_24, %mul3A_2] : memref<16x16384xi32, #tpu.memory_space<hbm>> -> memref<16x512xi32, #tpu.memory_space<hbm>>
      tpu.wait_dma2 semaphore(%run_scoped3A : memref<!tpu.dma_semaphore, #tpu.memory_space<semaphore_mem>>) src(%arg5 : memref<16x512xi32, #tpu.memory_space<vmem>>) dst(%dma_wait3A_25 : memref<16x512xi32, #tpu.memory_space<hbm>>)
      tpu.yield
    }) : () -> ()
    return
  }
}

</mosaic_0001>

<sc_bundles>
// kernel: kernel.3.cloned.1.call-start
scs
__scs_entry_jumppad:
0x0: {  	(pc) =	sbr.rel $0x88, $3  }
0x1: {  	(tag) =	ssettag $0x0;
	lr =	simm.s32 $0x1  }
0x2: {  	[smem:$0x3FA0] =	sst lr;
	_ =	strace $0xD0000000  }
0x3: {  	_ = 	snop  }
0x4: {  	_ = 	snop  }
0x5: {  	_ = 	snop  }
0x6: {  	_ = 	snop  }
0x7: {  	_ = 	snop  }
__scs_overlays_trampoline_lowered:
0x8: {  	[smem:$0x3FAF] =	sst s0  }
0x9: {  	[smem:$0x3FB0] =	sst s1  }
0xa: {  	[smem:$0x3FB1] =	sst s2  }
0xb: {  	[smem:$0x3FB2] =	sst s3  }
0xc: {  	[smem:$0x3FB3] =	sst s4  }
0xd: {  	[smem:$0x3FB4] =	sst s5  }
0xe: {  	[smem:$0x3FB5] =	sst s6  }
0xf: {  	[smem:$0x3FB6] =	sst s7  }
0x10: {  	[smem:$0x3FB7] =	sst s8  }
0x11: {  	[smem:$0x3FB8] =	sst s9;
	s0 =	simm.s32 @!p0 $0x0  }
0x12: {  	s1 =	sld [smem:$0x3F9E];
	s0 =	simm.s32 @p0 $0x1  }
0x13: {  	[smem:$0x3FB9] =	sst s0;
	s0 =	simm.s32 @!p1 $0x0  }
0x14: {  	s2 =	sld [smem:$0x3F9D];
	s0 =	simm.s32 @p1 $0x1  }
0x15: {  	[smem:$0x3FBA] =	sst s0;
	s0 =	simm.s32 @!p2 $0x0  }
0x16: {  	s3 =	sld [smem:$0x3FDB];
	s0 =	simm.s32 @p2 $0x1  }
0x17: {  	s4 =	simm.s32 $0x1BF5;
	[smem:$0x3FBC] =	sst s0  }
0x18: {  	s0 =	sld [smem:$0x3F9F];
	_ =	swait.ge [sflag:s4], $0x0  }
0x19: {  	s7 =	sld [smem:$0x3FA0]  }
0x1a: {  	s8 =	sadd.s32 $0xFFFFE003, lr  }
0x1b: {  	s9 =	sadd.s32 $0xFFFFFEF7, lr;
	s5 =	simm.s32 $0xFFFFFFFF;
	p2 =	slt.u32 s8, $0xFFFFF086  }
0x1c: {  	p1 =	slt.u32 s9, $0xF7A;
	s5 =	simm.s32 @!p2 $0x0  }
0x1d: {  	s5 =	simm.s32 @p1 $0x1;
	p0 =	seq.s32 s7, s2  }
0x1e: {  	s7 =	smul.u32 @!p0 $0xF7A, s2;
	p2 =	seq.s32 @!p0 s5, $0x0  }
0x1f: {  	s9 =	smul.u32 $0xF7A, s1;
	s8 =	simm.s32 @!p0 $0x1BF5;
	p2 =	por !p2, p0  }
0x20: {  	[sflag:s8] =	ssyncset.s32 @!p0 $0xFFFFF086;
	s6 =	sadd.s32 @!p0 s3, s7;
	s7 =	simm.s32 @!p0 $0x108  }
0x21: {  	s3 =	sadd.s32 s3, s9;
	s6 =	sadd.s32 @!p0 $0x88, s6;
	s7 =	simm.s32 @p2 $0x1082  }
0x22: {  	[simem:s7], [sflag:s8] =	dma.local @!p0 [hbm:s6], $0xF7A  }
0x23: {  	s9 =	sor.u32 $0xD0000000, s2;
	s6 =	simm.s32 $0x108;
	_ =	swait.ge @!p0 [sflag:s8], $0x0  }
0x24: {  	s3 =	sadd.s32 $0x88, s3;
	s6 =	simm.s32 @!p1 $0x1082;
	[sflag:s4] =	ssyncset.s32 $0xFFFFF086  }
0x25: {  	[simem:s6], [sflag:s4] =	dma.local [hbm:s3], $0xF7A  }
0x26: {  	[smem:$0x3FA0] =	sst s1;
	(tag) =	ssettag s2;
	_ =	strace s9  }
0x27: {  	s1 =	sld [smem:$0x3FB0]  }
0x28: {  	s2 =	sld [smem:$0x3FB1]  }
0x29: {  	s4 =	sld [smem:$0x3FB3]  }
0x2a: {  	p0 =	seq.s32 s5, $0x0;
	s5 =	sld [smem:$0x3FB4]  }
0x2b: {  	s6 =	sld [smem:$0x3FB5]  }
0x2c: {  	s7 =	sld [smem:$0x3FB6]  }
0x2d: {  	s3 =	simm.s32 $0x108;
	s8 =	sld [smem:$0x3FB7]  }
0x2e: {  	s3 =	simm.s32 @!p0 $0x1082;
	s9 =	sld [smem:$0x3FB8]  }
0x2f: {  	lr =	sadd.s32 s0, s3;
	s0 =	sld [smem:$0x3FAF]  }
0x30: {  	s3 =	sld [smem:$0x3FB2]  }
0x31: {  	[smem:$0x3FBB] =	sst s10  }
0x32: {  	s10 =	sld [smem:$0x3FB9];
	_ =	sdelay $0x3  }
0x33: {  	p0 =	seq.s32 s10, $0x1;
	s10 =	sld [smem:$0x3FBB];
	_ =	sdelay $0x3  }
0x34: {  	[smem:$0x3FBB] =	sst s10  }
0x35: {  	s10 =	sld [smem:$0x3FBA];
	_ =	sdelay $0x3  }
0x36: {  	p1 =	seq.s32 s10, $0x1;
	s10 =	sld [smem:$0x3FBB];
	_ =	sdelay $0x3  }
0x37: {  	[smem:$0x3FBB] =	sst s10  }
0x38: {  	s10 =	sld [smem:$0x3FBC]  }
0x39: {  	_ = 	snop;
	(pc) =	sbr.ind lr, $3  }
0x3a: {  	_ = 	snop  }
0x3b: {  	_ = 	snop  }
0x3c: {  	p2 =	seq.s32 s10, $0x1;
	s10 =	sld [smem:$0x3FBB]  }
0x3d: {  	_ =	shalt  }
0x3e: {  	_ =	shalt  }
0x3f: {  	_ =	shalt  }
0x40: {  	_ =	shalt  }
0x41: {  	_ =	shalt  }
0x42: {  	_ =	shalt  }
0x43: {  	_ =	shalt  }
0x44: {  	_ =	shalt  }
0x45: {  	_ =	shalt  }
0x46: {  	_ =	shalt  }
0x47: {  	_ =	shalt  }
0x48: {  	_ =	shalt  }
0x49: {  	_ =	shalt  }
0x4a: {  	_ =	shalt  }
0x4b: {  	_ =	shalt  }
0x4c: {  	_ =	shalt  }
0x4d: {  	_ =	shalt  }
0x4e: {  	_ =	shalt  }
0x4f: {  	_ =	shalt  }
0x50: {  	_ =	shalt  }
0x51: {  	_ =	shalt  }
0x52: {  	_ =	shalt  }
0x53: {  	_ =	shalt  }
0x54: {  	_ =	shalt  }
0x55: {  	_ =	shalt  }
0x56: {  	_ =	shalt  }
0x57: {  	_ =	shalt  }
0x58: {  	_ =	shalt  }
0x59: {  	_ =	shalt  }
0x5a: {  	_ =	shalt  }
0x5b: {  	_ =	shalt  }
0x5c: {  	_ =	shalt  }
0x5d: {  	_ =	shalt  }
0x5e: {  	_ =	shalt  }
0x5f: {  	_ =	shalt  }
0x60: {  	_ =	shalt  }
0x61: {  	_ =	shalt  }
0x62: {  	_ =	shalt  }
0x63: {  	_ =	shalt  }
0x64: {  	_ =	shalt  }
0x65: {  	_ =	shalt  }
0x66: {  	_ =	shalt  }
0x67: {  	_ =	shalt  }
0x68: {  	_ =	shalt  }
0x69: {  	_ =	shalt  }
0x6a: {  	_ =	shalt  }
0x6b: {  	_ =	shalt  }
0x6c: {  	_ =	shalt  }
0x6d: {  	_ =	shalt  }
0x6e: {  	_ =	shalt  }
0x6f: {  	_ =	shalt  }
0x70: {  	_ =	shalt  }
0x71: {  	_ =	shalt  }
0x72: {  	_ =	shalt  }
0x73: {  	_ =	shalt  }
0x74: {  	_ =	shalt  }
0x75: {  	_ =	shalt  }
0x76: {  	_ =	shalt  }
0x77: {  	_ =	shalt  }
0x78: {  	_ =	shalt  }
0x79: {  	_ =	shalt  }
0x7a: {  	_ =	shalt  }
0x7b: {  	_ =	shalt  }
0x7c: {  	_ =	shalt  }
0x7d: {  	_ =	shalt  }
0x7e: {  	_ =	shalt  }
0x7f: {  	_ =	shalt  }
0x80: {  	_ =	shalt  }
0x81: {  	_ =	shalt  }
0x82: {  	_ =	shalt  }
0x83: {  	_ =	shalt  }
0x84: {  	_ =	shalt  }
0x85: {  	_ =	shalt  }
0x86: {  	_ =	shalt  }
0x87: {  	_ =	shalt  }
.Lfunc_end0:
.L_simem_size_0:
called_computation_lowered:
.L_overlay_start_0:
0x88: {  	s2 =	sld [smem:$0x3FD9]  }
0x89: {  	s3 =	sld [smem:$0x3FFE];
	_ =	sdelay $0x1  }
0x8a: {  	s1 =	srdreg.scid  }
0x8b: {  	s0 =	sand.u32 $0x1, s1  }
0x8c: {  	s18 =	sshll.u32 s0, $0xA;
	s2 =	sadd.s32 s3, s2  }
0x8d: {  	s2 =	sadd.s32 s2, s18  }
0x8e: {  	[smem:$0x3FC7] =	sst s2  }
0x8f: {  	_ = 	snop  }
0x90: {  	s2 =	sld [smem:$0x3FC9]  }
0x91: {  	s19 =	sld [smem:$0x3FD0];
	(tm) =	ssettm $0x1  }
0x92: {  	s4 =	sld [smem:$0x3FFB];
	_ =	sdelay $0x3  }
0x93: {  	_ =	strace s4  }
0x94: {  	s4 =	sld [smem:$0x3FFC];
	_ =	sdelay $0x3  }
0x95: {  	_ =	strace s4  }
0x96: {  	s4 =	sld [smem:$0x3FFD];
	_ =	sdelay $0x3  }
0x97: {  	_ =	strace s4  }
0x98: {  	_ =	strace $0x8FFFFFFF  }
0x99: {  	s20 =	sld [smem:$0x3FDB];
	_ =	sdelay $0x1  }
0x9a: {  	s5 =	simm.s32 $_scs_section_size  }
0x9b: {  	s6 =	simm.s32 $_size__tile_overlayer_lowered;
	s7 =	simm.s32 $_tile_overlayer_lowered  }
0x9c: {  	s23 =	simm.s32 $0x1BFF;
	s22 =	sshll.u32 s7, $0x1;
	s4 =	sadd.s32 s5, s20  }
0x9d: {  	s8 =	simm.s32 $0x0;
	s21 =	sshll.u32 s6, $0x1;
	s6 =	sadd.s32 s22, s4  }
0x9e: {  	[timem:s8], [sflag:s23] =	dma.local [hbm:s6], s21  }
0x9f: {  	_ =	swait.ge [sflag:s23], s21  }
0xa0: {  	s5 =	ssub.s32 $0x0, s21;
	[sflag:s23] =	ssyncset.done $0x0  }
0xa1: {  	[sflag:s23] =	ssyncadd.s32 s5;
	_ =	sdelay $0x1  }
0xa2: {  	s24 =	simm.s32 $0x1B8B  }
0xa3: {  	_ =	swait.ge [sflag:s24], $0x1  }
0xa4: {  	[sflag:s24] =	ssyncset.done $0x0  }
0xa5: {  	s25 =	simm.s32 $0x1B8E;
	[sflag:s24] =	ssyncadd.s32 $0xFFFFFFFF  }
0xa6: {  	s26 =	simm.s32 $execute0_lowered;
	[smem:$0x3FD2] =	sst s25  }
0xa7: {  	s5 =	sshll.u32 s26, $0x1;
	_ =	strace $0x80000046;
	[dreg:$0x1] =	wrdreg $0xFFFFFFFF  }
0xa8: {  	s28 =	simm.s32 $_size_execute0_lowered;
	s4 =	sadd.s32 s4, s5;
	[dreg:$0x0] =	wrdreg $0x0  }
0xa9: {  	s5 =	sshll.u32 s28, $0x1;
	[dreg:$0x2] =	wrdreg s4  }
0xaa: {  	[dreg:$0x3] =	wrdreg s5  }
0xab: {  	[dreg:$0x4] =	wrdreg $0xC0  }
0xac: {  	_ =	task [dreg:s8], $0x5FFFF  }
0xad: {  	[dreg:$0x1] =	wrdreg $0xFFFFFFFF  }
0xae: {  	[dreg:$0x0] =	wrdreg $0x60  }
0xaf: {  	[dreg:$0x2] =	wrdreg s2  }
0xb0: {  	[dreg:$0x3] =	wrdreg s19  }
0xb1: {  	[dreg:$0x4] =	wrdreg $0x9  }
0xb2: {  	_ =	task.clear_ibuf [dreg:s8], $0x5FFFF;
	_ =	strace $0x90000046  }
0xb3: {  	s29 =	simm.s32 $0x9;
	_ =	strace $0x80000048  }
0xb4: {  	_ =	swait.ge [sflag:s29], $0x1  }
0xb5: {  	[sflag:s29] =	ssyncadd.s32 $0xFFFFFFFF  }
0xb6: {  	_ =	strace $0x90000048  }
0xb7: {  	_ =	sfence  }
0xb8: {  	s30 =	sld [smem:$0x0];
	_ =	sdelay $0x2  }
0xb9: {  	s31 =	sshll.u32 s1, $0xD;
	s1 =	sshrl.u32 s1, $0x2  }
0xba: {  	s3 =	sand.u32 $0x4000, s31;
	s1 =	sadd.s32 s1, s30  }
0xbb: {  	s0 =	sor.u32 s3, s0;
	s1 =	sshll.u32 s1, $0x11  }
0xbc: {  	s0 =	sor.u32 s1, s0  }
0xbd: {  	s0 =	sadd.s32 $0x8F2B, s0  }
0xbe: {  	[sflag:s0] =	ssyncadd.remote.s32 $0x1  }
0xbf: {  	_ =	sfence.sel $0xFFFF  }
0xc0: {  	[dreg:$0x0] =	wrdreg $0xFFFFFFFF;
	(pc) =	sbr.abs _section_cstart, $3  }
0xc1: {  	[dreg:$0x1] =	wrdreg $0xFFFFFFFF  }
0xc2: {  	_ =	task.clear_ibuf [dreg:s8], $0x2FFFF;
	_ =	strace $0x9FFFFFFF  }
0xc3: {  	(tm) =	ssettm $0x7FFFFFFF  }
tec
execute0_lowered:
.L_overlay_start_1:
0x0: {  	(tag) =	ssettag $0x1  }
0x1: {  	s3 =	rddreg [dreg:$0x0]  }
0x2: {  	s4 =	rddreg [dreg:$0x1]  }
0x3: {  	s0 =	rddreg [dreg:$0x2];
	s2 =	simm.s32 $0x0;
	s5 =	srdreg.scid  }
0x4: {  	s1 =	stileid.u32;
	s9 =	simm.s32 $0x2000;
	s10 =	simm.s32 $0x0  }
0x5: {  	[smem:$0x7FF] =	sst s2;
	s5 =	sand.u32 $0x1, s5;
	s7 =	sshll.u32 s1, $0xA  }
0x6: {  	s6 =	ssub.s32 $0x2, s5;
	s5 =	sshll.u32 s5, $0x9;
	_ =	strace $0x80000047  }
0x7: {  	s8 =	sshrl.u32 s6, $0x1;
	s5 =	sor.u32 s5, s7;
	s7 =	simm.s32 $0x20000  }
0x8: {  	s6 =	ssub.s32 s6, s8;
	s3 =	sadd.s32 s3, s5;
	s4 =	sadd.s32 s4, s5  }
0x9: {  	v0 =	vimm.s32 $0x2;
	v1 =	vimm.s32 $0x0;
	s8 =	simm.s32 $0x1;
	s5 =	smax.u32 s6, $0x1;
	s6 =	simm.s32 $0x1000  }
.LBB2_1:
0xa: {  	[tilespmem:s2], [sflag:$0x1] =	stream.strided.gather [hbm4b:s3+s6], $0x2000, s7, s6, $0x38;
	[tilespmem:$0x4000] =	vst v63  }
0xb: {  	_ =	swait.ge [sflag:s8], $0x2000  }
0xc: {  	s11 =	simm.s32 $0x0;
	[sflag:s8] =	ssyncset.done $0x0  }
0xd: {  	s12 =	simm.s32 $0x0;
	s13 =	simm.s32 $0x0;
	[sflag:s8] =	ssyncadd.s32 $0xFFFFE000  }
.LBB2_2:
0xe: {  	s14 =	sand.u32 $0x60, s13;
	s15 =	sand.u32 $0xC00, s12  }
0xf: {  	s14 =	sor.u32 s14, s15  }
0x10: {  	s26 =	sand.u32 $0xFFFFFC00, s12;
	v8 =	vld [tilespmem:s14+$0x0]  }
0x11: {  	s16 =	sadd.s32 s26, s13;
	v9 =	vld [tilespmem:s14+$0x80]  }
0x12: {  	s28 =	sand.u32 $0x3, s11;
	v10 =	vld [tilespmem:s14+$0x100];
	s21 =	sor.u32 $0x180, s16  }
0x13: {  	s15 =	sshll.u32 s28, $0x5;
	v11 =	vld [tilespmem:s21+$0x0]  }
0x14: {  	s15 =	sadd.s32 s15, s12;
	v12 =	vld [tilespmem:s14+$0x200]  }
0x15: {  	s20 =	sor.u32 s13, s12;
	v13 =	vld [tilespmem:s14+$0x280];
	s18 =	sor.u32 $0x300, s15  }
0x16: {  	s17 =	sor.u32 $0x380, s20;
	v14 =	vld [tilespmem:s18+$0x0];
	v2 =	vmax.f32 v8, v9  }
0x17: {  	v15 =	vld [tilespmem:s17+$0x0];
	v3 =	vmin.f32 v8, v9;
	v4 =	vmin.f32 v2, v10;
	v2 =	vmax.f32 v2, v10  }
0x18: {  	v16 =	vld [tilespmem:s14+$0x1000];
	v3 =	vmax.f32 v3, v4;
	v47 =	vmin.f32 v2, v11;
	v2 =	vmax.f32 v2, v11  }
0x19: {  	v17 =	vld [tilespmem:s14+$0x1080];
	v3 =	vmax.f32 v3, v47;
	v48 =	vmin.f32 v2, v12;
	v2 =	vmax.f32 v2, v12  }
0x1a: {  	v18 =	vld [tilespmem:s14+$0x1100];
	s16 =	sor.u32 $0x1180, s16;
	v3 =	vmax.f32 v3, v48;
	v49 =	vmin.f32 v2, v13;
	v2 =	vmax.f32 v2, v13  }
0x1b: {  	v7 =	vld [tilespmem:s16+$0x0];
	v3 =	vmax.f32 v3, v49;
	v50 =	vmin.f32 v2, v14;
	v2 =	vmax.f32 v2, v14  }
0x1c: {  	v5 =	vld [tilespmem:s14+$0x1200];
	v3 =	vmax.f32 v3, v50;
	v6 =	vmin.f32 v2, v15;
	v2 =	vmax.f32 v2, v15  }
0x1d: {  	v51 =	vld [tilespmem:s14+$0x1280];
	s19 =	sor.u32 $0x1300, s15;
	v6 =	vmax.f32 v3, v6;
	v19 =	vmin.f32 v2, v16;
	v2 =	vmax.f32 v2, v16  }
0x1e: {  	s20 =	sor.u32 $0x1380, s20;
	v3 =	vld [tilespmem:s19+$0x0];
	v6 =	vmax.f32 v6, v19;
	v52 =	vmin.f32 v2, v17;
	v20 =	vmax.f32 v2, v17  }
0x1f: {  	v2 =	vld [tilespmem:s20+$0x0];
	v6 =	vmax.f32 v6, v52;
	v53 =	vmin.f32 v20, v18;
	v20 =	vmax.f32 v20, v18  }
0x20: {  	v6 =	vmax.f32 v6, v53;
	v54 =	vmin.f32 v20, v7;
	v20 =	vmax.f32 v20, v7  }
0x21: {  	v6 =	vmax.f32 v6, v54;
	v55 =	vmin.f32 v20, v5;
	v20 =	vmax.f32 v20, v5  }
0x22: {  	v6 =	vmax.f32 v6, v55;
	v56 =	vmin.f32 v20, v51;
	v20 =	vmax.f32 v20, v51  }
0x23: {  	v6 =	vmax.f32 v6, v56;
	v57 =	vmin.f32 v20, v3;
	v20 =	vmax.f32 v20, v3  }
0x24: {  	v6 =	vmax.f32 v6, v57;
	v58 =	vmin.f32 v20, v2  }
0x25: {  	v59 =	vmax.f32 v20, v2;
	v6 =	vmax.f32 v6, v58  }
0x26: {  	vm0 =	vgt.f32 v59, v6  }
0x27: {  	vm1 =	veq.f32 v8, v6;
	vm14 =	vge.f32 v8, v6;
	vm15 =	veq.f32 v9, v6  }
0x28: {  	vm3 =	vgt.f32 v9, v6;
	vm5 =	veq.f32 v10, v6;
	vm7 =	vgt.f32 v10, v6  }
0x29: {  	vm8 =	veq.f32 v11, v6;
	vm9 =	vgt.f32 v11, v6;
	vm12 =	veq.f32 v12, v6  }
0x2a: {  	v19 =	vsel vm0, $0x1, v0;
	v60 =	vsel vm1, $0x1, v1;
	v61 =	vsel vm15, $0x1, v1  }
0x2b: {  	v62 =	vsel vm14, $0x1, v1;
	v22 =	vsel vm5, $0x1, v1;
	v23 =	vsel vm8, $0x1, v1  }
0x2c: {  	v25 =	vsel vm12, $0x1, v1;
	vm2 =	vgt.u32 v19, v60;
	v8 =	vadd.s32 v61, v60  }
0x2d: {  	vm14 =	vgt.f32 v12, v6;
	vm1 =	vmand vm15, vm2;
	vm6 =	vlt.u32 v8, v19  }
0x2e: {  	v8 =	vadd.s32 v22, v8;
	vm4 =	vmor vm3, vm1;
	vm0 =	vmand vm5, vm6  }
0x2f: {  	vm10 =	vlt.u32 v8, v19;
	v8 =	vadd.s32 v23, v8;
	vm6 =	vgt.f32 v13, v6  }
0x30: {  	v63 =	vsel vm4, $0x1, v1;
	vm0 =	vmor vm7, vm0;
	vm11 =	vmand vm8, vm10  }
0x31: {  	vm13 =	vlt.u32 v8, v19;
	v8 =	vadd.s32 v25, v8;
	vm4 =	veq.f32 v13, v6  }
0x32: {  	vm7 =	veq.f32 v14, v6;
	vm8 =	vgt.f32 v14, v6;
	v24 =	vsel vm0, $0x1, v1  }
0x33: {  	vm0 =	vmor vm9, vm11;
	vm1 =	vmand vm12, vm13;
	vm5 =	vlt.u32 v8, v19  }
0x34: {  	v28 =	vsel vm4, $0x1, v1;
	v29 =	vsel vm7, $0x1, v1;
	vm11 =	veq.f32 v15, v6  }
0x35: {  	vm13 =	vgt.f32 v15, v6;
	v26 =	vsel vm0, $0x1, v1;
	vm15 =	vmor vm14, vm1  }
0x36: {  	vm0 =	vmand vm4, vm5;
	v8 =	vadd.s32 v28, v8;
	v31 =	vsel vm11, $0x1, v1  }
0x37: {  	vm5 =	vgt.f32 v16, v6;
	v27 =	vsel vm15, $0x1, v1;
	vm0 =	vmor vm6, vm0  }
0x38: {  	vm9 =	vlt.u32 v8, v19;
	v8 =	vadd.s32 v29, v8;
	vm15 =	veq.f32 v16, v6  }
0x39: {  	vm6 =	veq.f32 v17, v6;
	v30 =	vsel vm0, $0x1, v1;
	vm10 =	vmand vm7, vm9  }
0x3a: {  	vm12 =	vlt.u32 v8, v19;
	v8 =	vadd.s32 v31, v8;
	v34 =	vsel vm15, $0x1, v1  }
0x3b: {  	v35 =	vsel vm6, $0x1, v1;
	vm7 =	vgt.f32 v17, v6;
	vm0 =	vmor vm8, vm10  }
0x3c: {  	vm1 =	vmand vm11, vm12;
	vm4 =	vlt.u32 v8, v19;
	v8 =	vadd.s32 v34, v8  }
0x3d: {  	vm10 =	veq.f32 v18, v6;
	vm12 =	vgt.f32 v18, v6;
	v32 =	vsel vm0, $0x1, v1  }
0x3e: {  	vm14 =	vmor vm13, vm1;
	vm0 =	vmand vm15, vm4;
	vm8 =	vlt.u32 v8, v19  }
0x3f: {  	v8 =	vadd.s32 v35, v8;
	v37 =	vsel vm10, $0x1, v1;
	vm4 =	vgt.f32 v7, v6  }
0x40: {  	v33 =	vsel vm14, $0x1, v1;
	vm0 =	vmor vm5, vm0;
	vm9 =	vmand vm6, vm8  }
0x41: {  	vm11 =	vlt.u32 v8, v19;
	v8 =	vadd.s32 v37, v8;
	vm14 =	veq.f32 v7, v6  }
0x42: {  	[tilespmem:s14+$0x2000] =	vst v62;
	vm5 =	veq.f32 v5, v6;
	vm8 =	veq.f32 v51, v6;
	v36 =	vsel vm0, $0x1, v1  }
0x43: {  	[tilespmem:s14+$0x2080] =	vst v63;
	vm0 =	vmor vm7, vm9;
	vm1 =	vmand vm10, vm11;
	vm15 =	vlt.u32 v8, v19  }
0x44: {  	[tilespmem:s14+$0x2100] =	vst v24;
	v40 =	vsel vm14, $0x1, v1;
	v43 =	vsel vm5, $0x1, v1;
	vm7 =	vgt.f32 v5, v6  }
0x45: {  	[tilespmem:s21+$0x2000] =	vst v26;
	vm10 =	vgt.f32 v51, v6;
	v46 =	vsel vm8, $0x1, v1;
	vm11 =	veq.f32 v3, v6  }
0x46: {  	[tilespmem:s14+$0x2200] =	vst v27;
	v38 =	vsel vm0, $0x1, v1;
	vm13 =	vmor vm12, vm1;
	vm0 =	vmand vm14, vm15  }
0x47: {  	[tilespmem:s14+$0x2280] =	vst v30;
	v41 =	vadd.s32 v40, v8;
	v48 =	vsel vm11, $0x1, v1;
	vm12 =	vgt.f32 v3, v6  }
0x48: {  	[tilespmem:s18+$0x2000] =	vst v32;
	vm14 =	veq.f32 v2, v6;
	v39 =	vsel vm13, $0x1, v1;
	vm0 =	vmor vm4, vm0  }
0x49: {  	[tilespmem:s17+$0x2000] =	vst v33;
	vm6 =	vlt.u32 v41, v19;
	v44 =	vadd.s32 v43, v41;
	v42 =	vsel vm0, $0x1, v1  }
0x4a: {  	[tilespmem:s14+$0x3000] =	vst v36;
	vm0 =	vmand vm5, vm6;
	vm9 =	vlt.u32 v44, v19;
	v4 =	vadd.s32 v46, v44  }
0x4b: {  	[tilespmem:s14+$0x3080] =	vst v38;
	vm5 =	vgt.f32 v2, v6;
	vm0 =	vmor vm7, vm0;
	vm2 =	vmand vm8, vm9  }
0x4c: {  	[tilespmem:s14+$0x3100] =	vst v39;
	vm13 =	vlt.u32 v4, v19;
	v3 =	vadd.s32 v48, v4;
	v45 =	vsel vm0, $0x1, v1  }
0x4d: {  	[tilespmem:s16+$0x2000] =	vst v42;
	vm0 =	vmor vm10, vm2;
	vm1 =	vmand vm11, vm13;
	vm15 =	vlt.u32 v3, v19  }
0x4e: {  	v47 =	vsel vm0, $0x1, v1;
	[tilespmem:s14+$0x3200] =	vst v45;
	vm0 =	vmor vm12, vm1;
	vm2 =	vmand vm14, vm15  }
0x4f: {  	[tilespmem:s14+$0x3280] =	vst v47;
	v2 =	vsel vm0, $0x1, v1;
	vm6 =	vmor vm5, vm2  }
0x50: {  	[tilespmem:s19+$0x2000] =	vst v2;
	v2 =	vsel vm6, $0x1, v1  }
0x51: {  	[tilespmem:s20+$0x2000] =	vst v2  }
0x52: {  	v8 =	vld [tilespmem:s14+$0x10]  }
0x53: {  	v49 =	vld [tilespmem:s14+$0x90]  }
0x54: {  	v50 =	vld [tilespmem:s14+$0x110]  }
0x55: {  	v51 =	vld [tilespmem:s14+$0x190]  }
0x56: {  	s29 =	sadd.s32 $0x10, s15;
	v12 =	vld [tilespmem:s14+$0x210]  }
0x57: {  	s30 =	sor.u32 $0x300, s29;
	v13 =	vld [tilespmem:s14+$0x290]  }
0x58: {  	s15 =	sor.u32 $0x380, s29;
	v14 =	vld [tilespmem:s30+$0x0];
	v2 =	vmax.f32 v8, v49  }
0x59: {  	v15 =	vld [tilespmem:s15+$0x0];
	v3 =	vmin.f32 v8, v49;
	v52 =	vmin.f32 v2, v50;
	v2 =	vmax.f32 v2, v50  }
0x5a: {  	v53 =	vld [tilespmem:s14+$0x1010];
	v3 =	vmax.f32 v3, v52;
	v54 =	vmin.f32 v2, v51;
	v2 =	vmax.f32 v2, v51  }
0x5b: {  	v55 =	vld [tilespmem:s14+$0x1090];
	v3 =	vmax.f32 v3, v54;
	v56 =	vmin.f32 v2, v12;
	v2 =	vmax.f32 v2, v12  }
0x5c: {  	v57 =	vld [tilespmem:s14+$0x1110];
	v3 =	vmax.f32 v3, v56;
	v58 =	vmin.f32 v2, v13;
	v2 =	vmax.f32 v2, v13  }
0x5d: {  	v59 =	vld [tilespmem:s14+$0x1190];
	v3 =	vmax.f32 v3, v58;
	v60 =	vmin.f32 v2, v14;
	v2 =	vmax.f32 v2, v14  }
0x5e: {  	v61 =	vld [tilespmem:s14+$0x1210];
	v3 =	vmax.f32 v3, v60;
	v62 =	vmin.f32 v2, v15;
	v2 =	vmax.f32 v2, v15  }
0x5f: {  	s31 =	sor.u32 $0x1300, s29;
	v63 =	vld [tilespmem:s14+$0x1290];
	v6 =	vmax.f32 v3, v62;
	v23 =	vmin.f32 v2, v53;
	v2 =	vmax.f32 v2, v53  }
0x60: {  	s18 =	sor.u32 $0x1380, s29;
	v3 =	vld [tilespmem:s31+$0x0];
	v6 =	vmax.f32 v6, v23;
	v24 =	vmin.f32 v2, v55;
	v25 =	vmax.f32 v2, v55  }
0x61: {  	v2 =	vld [tilespmem:s18+$0x0];
	v6 =	vmax.f32 v6, v24;
	v26 =	vmin.f32 v25, v57;
	v20 =	vmax.f32 v25, v57  }
0x62: {  	v6 =	vmax.f32 v6, v26;
	v27 =	vmin.f32 v20, v59;
	v20 =	vmax.f32 v20, v59  }
0x63: {  	v6 =	vmax.f32 v6, v27;
	v28 =	vmin.f32 v20, v61;
	v20 =	vmax.f32 v20, v61  }
0x64: {  	v6 =	vmax.f32 v6, v28;
	v29 =	vmin.f32 v20, v63;
	v20 =	vmax.f32 v20, v63  }
0x65: {  	v6 =	vmax.f32 v6, v29;
	v30 =	vmin.f32 v20, v3;
	v20 =	vmax.f32 v20, v3  }
0x66: {  	v6 =	vmax.f32 v6, v30;
	v31 =	vmin.f32 v20, v2  }
0x67: {  	v32 =	vmax.f32 v20, v2;
	v6 =	vmax.f32 v6, v31  }
0x68: {  	vm7 =	vgt.f32 v32, v6  }
0x69: {  	vm8 =	veq.f32 v8, v6;
	vm9 =	veq.f32 v49, v6;
	vm10 =	vge.f32 v8, v6  }
0x6a: {  	vm13 =	veq.f32 v50, v6;
	vm15 =	vgt.f32 v49, v6;
	vm4 =	vgt.f32 v50, v6  }
0x6b: {  	vm5 =	veq.f32 v51, v6;
	vm6 =	vgt.f32 v51, v6;
	v19 =	vsel vm7, $0x1, v0  }
0x6c: {  	v33 =	vsel vm8, $0x1, v1;
	v34 =	vsel vm9, $0x1, v1;
	v35 =	vsel vm10, $0x1, v1  }
0x6d: {  	v36 =	vsel vm13, $0x1, v1;
	v39 =	vsel vm5, $0x1, v1;
	vm8 =	veq.f32 v12, v6  }
0x6e: {  	vm11 =	vgt.u32 v19, v33;
	v8 =	vadd.s32 v34, v33;
	v40 =	vsel vm8, $0x1, v1  }
0x6f: {  	vm12 =	vmand vm9, vm11;
	vm14 =	vlt.u32 v8, v19;
	v8 =	vadd.s32 v36, v8  }
0x70: {  	vm11 =	veq.f32 v13, v6;
	vm2 =	vmand vm13, vm14;
	vm0 =	vmor vm15, vm12  }
0x71: {  	vm7 =	vlt.u32 v8, v19;
	v8 =	vadd.s32 v39, v8;
	vm13 =	vgt.f32 v12, v6  }
0x72: {  	vm14 =	vgt.f32 v13, v6;
	v42 =	vsel vm11, $0x1, v1;
	vm4 =	vmor vm4, vm2  }
0x73: {  	v37 =	vsel vm0, $0x1, v1;
	vm0 =	vmand vm5, vm7;
	vm9 =	vlt.u32 v8, v19  }
0x74: {  	v8 =	vadd.s32 v40, v8;
	vm5 =	vgt.f32 v14, v6;
	vm7 =	veq.f32 v15, v6  }
0x75: {  	v38 =	vsel vm4, $0x1, v1;
	vm0 =	vmor vm6, vm0;
	vm10 =	vmand vm8, vm9  }
0x76: {  	vm12 =	vlt.u32 v8, v19;
	v8 =	vadd.s32 v42, v8;
	vm4 =	veq.f32 v14, v6  }
0x77: {  	v46 =	vsel vm7, $0x1, v1;
	vm8 =	vgt.f32 v15, v6;
	v41 =	vsel vm0, $0x1, v1  }
0x78: {  	vm2 =	vmand vm11, vm12;
	vm0 =	vmor vm13, vm10;
	vm6 =	vlt.u32 v8, v19  }
0x79: {  	v45 =	vsel vm4, $0x1, v1;
	vm10 =	veq.f32 v53, v6;
	vm13 =	vgt.f32 v53, v6  }
0x7a: {  	vm15 =	vmor vm14, vm2;
	v43 =	vsel vm0, $0x1, v1;
	vm0 =	vmand vm4, vm6  }
0x7b: {  	v8 =	vadd.s32 v45, v8;
	v47 =	vsel vm10, $0x1, v1;
	vm14 =	veq.f32 v55, v6  }
0x7c: {  	v44 =	vsel vm15, $0x1, v1;
	vm0 =	vmor vm5, vm0;
	vm9 =	vlt.u32 v8, v19  }
0x7d: {  	v8 =	vadd.s32 v46, v8;
	v50 =	vsel vm14, $0x1, v1;
	vm5 =	vgt.f32 v55, v6  }
0x7e: {  	vm2 =	vmand vm7, vm9;
	vm11 =	vlt.u32 v8, v19;
	v48 =	vsel vm0, $0x1, v1  }
0x7f: {  	v8 =	vadd.s32 v47, v8;
	vm7 =	veq.f32 v57, v6;
	vm9 =	vgt.f32 v57, v6  }
0x80: {  	vm1 =	vmor vm8, vm2;
	vm12 =	vmand vm10, vm11;
	vm15 =	vlt.u32 v8, v19  }
0x81: {  	v8 =	vadd.s32 v50, v8;
	v52 =	vsel vm7, $0x1, v1;
	vm11 =	veq.f32 v59, v6  }
0x82: {  	vm0 =	vmor vm13, vm12;
	v49 =	vsel vm1, $0x1, v1;
	vm4 =	vmand vm14, vm15  }
0x83: {  	vm8 =	vlt.u32 v8, v19;
	v8 =	vadd.s32 v52, v8;
	v55 =	vsel vm11, $0x1, v1  }
0x84: {  	[tilespmem:s14+$0x2010] =	vst v35;
	vm13 =	vgt.f32 v59, v6;
	vm14 =	veq.f32 v61, v6;
	v51 =	vsel vm0, $0x1, v1  }
0x85: {  	[tilespmem:s14+$0x2090] =	vst v37;
	vm6 =	vmor vm5, vm4;
	vm2 =	vmand vm7, vm8;
	vm12 =	vlt.u32 v8, v19  }
0x86: {  	[tilespmem:s14+$0x2110] =	vst v38;
	v56 =	vadd.s32 v55, v8;
	v58 =	vsel vm14, $0x1, v1;
	vm4 =	vgt.f32 v61, v6  }
0x87: {  	[tilespmem:s14+$0x2190] =	vst v41;
	vm5 =	veq.f32 v63, v6;
	vm7 =	vgt.f32 v63, v6;
	vm8 =	veq.f32 v3, v6  }
0x88: {  	[tilespmem:s14+$0x2210] =	vst v43;
	v53 =	vsel vm6, $0x1, v1;
	vm10 =	vmor vm9, vm2;
	vm0 =	vmand vm11, vm12  }
0x89: {  	[tilespmem:s14+$0x2290] =	vst v44;
	vm15 =	vlt.u32 v56, v19;
	v59 =	vadd.s32 v58, v56;
	v61 =	vsel vm5, $0x1, v1  }
0x8a: {  	[tilespmem:s30+$0x2000] =	vst v48;
	v63 =	vsel vm8, $0x1, v1;
	vm9 =	vgt.f32 v3, v6;
	vm11 =	veq.f32 v2, v6  }
0x8b: {  	[tilespmem:s15+$0x2000] =	vst v49;
	v54 =	vsel vm10, $0x1, v1;
	vm0 =	vmor vm13, vm0;
	vm6 =	vlt.u32 v59, v19  }
0x8c: {  	[tilespmem:s14+$0x3010] =	vst v51;
	v4 =	vadd.s32 v61, v59;
	v57 =	vsel vm0, $0x1, v1;
	vm0 =	vmand vm14, vm15  }
0x8d: {  	[tilespmem:s14+$0x3090] =	vst v53;
	vm2 =	vmand vm5, vm6;
	vm10 =	vlt.u32 v4, v19;
	v3 =	vadd.s32 v63, v4  }
0x8e: {  	p0 =	sne.s32 s13, $0x1E0;
	[tilespmem:s14+$0x3110] =	vst v54;
	vm14 =	vgt.f32 v2, v6;
	vm0 =	vmor vm4, vm0;
	vm1 =	vmand vm8, vm10  }
.Ltmp0:
0x8f: {  	[tilespmem:s14+$0x3190] =	vst v57;
	vm12 =	vlt.u32 v3, v19;
	v60 =	vsel vm0, $0x1, v1;
	vm0 =	vmor vm7, vm2;
	(pc) =	sbr.rel @p0 .LBB2_2-.Ltmp0, $4  }
0x90: {  	vm13 =	vmand vm11, vm12;
	v62 =	vsel vm0, $0x1, v1;
	vm0 =	vmor vm9, vm1;
	[tilespmem:s14+$0x3210] =	vst v60  }
0x91: {  	vm15 =	vmor vm14, vm13;
	[tilespmem:s14+$0x3290] =	vst v62;
	v2 =	vsel vm0, $0x1, v1  }
0x92: {  	[tilespmem:s31+$0x2000] =	vst v2;
	v2 =	vsel vm15, $0x1, v1  }
0x93: {  	s11 =	sadd.s32 $0x1, s11;
	s13 =	sadd.s32 $0x20, s13;
	s12 =	sadd.s32 $0x100, s12;
	[tilespmem:s18+$0x2000] =	vst v2  }
0x94: {  	s10 =	sadd.s32 $0x1, s10  }
0x95: {  	p0 =	sne.s32 s10, s5  }
.Ltmp1:
0x96: {  	_ = 	snop;
	(pc) =	sbr.rel @p0 .LBB2_1-.Ltmp1, $4  }
0x97: {  	[hbm4b:s4+s6] =	stream.strided.scatter [tilespmem:s9], [sflag:$0x1], $0x2000, s7, s6, $0x38;
	[tilespmem:$0x4000] =	vst v63  }
0x98: {  	_ =	swait.ge [sflag:s8], $0x2000  }
0x99: {  	[sflag:s8] =	ssyncset.done $0x0  }
0x9a: {  	[sflag:s8] =	ssyncadd.s32 $0xFFFFE000  }
0x9b: {  	_ =	sfence.sel $0x180000  }
0x9c: {  	[bflag:$0x0] =	sbarrier.arrive $0xFFFF  }
0x9d: {  	p0 =	sne.s32 s1, $0x0;
	_ =	strace $0x90000047  }
0x9e: {  	s0 =	sadd.s32 @!p0 $0x100000, s0;
	[bflag:$0x2] =	sbarrier.arrive $0xFFFF  }
0x9f: {  	[sflag:s0] =	ssyncadd.tile.s32 @!p0 $0x1;
	_ =	shalt  }
.Lfunc_end2:
_tile_overlayer_lowered:
.L_overlay_start_2:
0xa0: {  	(tag) =	ssettag $0x2  }
0xa1: {  	s0 =	rddreg [dreg:$0x0];
	s2 =	stileid.u32  }
0xa2: {  	s1 =	rddreg [dreg:$0x1];
	p0 =	sne.s32 s2, $0x0  }
0xa3: {  	s3 =	rddreg [dreg:$0x2];
	[bflag:$0x3] =	sbarrier.arrive $0xFFFF;
	s2 =	simm.s32 @!p0 $0x1C01  }
0xa4: {  	[timem:s3], [sflag:s2] =	dma.local @!p0 [hbm:s0], s1  }
0xa5: {  	s0 =	simm.s32 @!p0 $0x1  }
0xa6: {  	_ =	swait.ge @!p0 [sflag:s0], s1  }
0xa7: {  	s1 =	ssub.s32 @!p0 $0x0, s1;
	[sflag:s0] =	ssyncset.done @!p0 $0x0  }
0xa8: {  	[sflag:s0] =	ssyncadd.s32 @!p0 s1  }
0xa9: {  	[bflag:$0x3] =	sbarrier.arrive $0xFFFF  }
0xaa: {  	_ =	shalt  }

</sc_bundles>
